<compile_context>
chip_gen: v7x
topology: tpu7x:2x2x1
jax: 0.10.2.dev20260603
libtpu: 0.0.44.dev20260713+nightly
codegen_flags: <defaults>
</compile_context>

<pallas_src>
import functools

import jax
import jax.numpy as jnp
from jax import lax
from jax.experimental import pallas as pl
from jax.experimental.pallas import tpu as pltpu
from jax.experimental.pallas import tpu_sc as plsc

N = 10000
NP = 10240
E = 320000
F_IN = 128
H = 64
B = 64
K = 10

NCORES = 2
NSUB = 16
NW = NCORES * NSUB
CHUNK = 128
CH = 80
EP = NW * CH * CHUNK
RPT = NP // NSUB

_mesh = plsc.VectorSubcoreMesh(core_axis_name="c", subcore_axis_name="s")



@functools.partial(
    pl.kernel,
    out_type=jax.ShapeDtypeStruct((NCORES * NP,), jnp.float32),
    mesh=_mesh,
    scratch_types=[
        pltpu.VMEM((CH, CHUNK), jnp.int32),
        pltpu.VMEM((CHUNK,), jnp.float32),
        pltpu.VMEM_SHARED((NP,), jnp.float32),
    ],
    compiler_params=pltpu.CompilerParams(use_tc_tiling_on_sc=False),
)
def _sc_degree(dst_hbm, z_hbm, out_hbm, didx, ones, acc):
    c = lax.axis_index("c")
    s = lax.axis_index("s")
    wid = s * NCORES + c
    for i in range(CHUNK // 16):
        ones[pl.ds(i * 16, 16)] = jnp.ones((16,), jnp.float32)
    sl = pl.ds(s * RPT, RPT)
    pltpu.sync_copy(z_hbm.at[sl], acc.at[sl])
    pltpu.sync_copy(dst_hbm.at[pl.ds(wid * CH, CH)], didx)
    plsc.subcore_barrier()

    def body(j, carry):
        pltpu.sync_copy(ones, acc.at[didx.at[j]], add=True)
        return carry

    lax.fori_loop(0, CH, body, 0)
    plsc.subcore_barrier()
    pltpu.sync_copy(acc.at[sl], out_hbm.at[pl.ds(c * NP + s * RPT, RPT)])


@functools.partial(
    pl.kernel,
    out_type=jax.ShapeDtypeStruct((NCORES, NP, H), jnp.float32),
    mesh=_mesh,
    scratch_types=[
        pltpu.VMEM((CH, CHUNK), jnp.int32),
        pltpu.VMEM((CH, CHUNK), jnp.int32),
        pltpu.VMEM((CHUNK, H), jnp.float32),
        pltpu.VMEM_SHARED((NP, H), jnp.float32),
        pltpu.SemaphoreType.DMA,
    ],
    compiler_params=pltpu.CompilerParams(use_tc_tiling_on_sc=False),
)
def _sc_scatter(m_hbm, src_hbm, dst_hbm, z_hbm, out_hbm,
                sidx, didx, rows, acc, sem):
    c = lax.axis_index("c")
    s = lax.axis_index("s")
    wid = s * NCORES + c
    pltpu.sync_copy(z_hbm.at[pl.ds(s * RPT, RPT)], acc.at[pl.ds(s * RPT, RPT)])
    pltpu.sync_copy(src_hbm.at[pl.ds(wid * CH, CH)], sidx)
    pltpu.sync_copy(dst_hbm.at[pl.ds(wid * CH, CH)], didx)
    plsc.subcore_barrier()

    def body(j, carry):
        pltpu.async_copy(m_hbm.at[sidx.at[j]], rows, sem).wait()
        pltpu.sync_copy(rows, acc.at[didx.at[j]], add=True)
        return carry

    lax.fori_loop(0, CH, body, 0)
    plsc.subcore_barrier()
    pltpu.sync_copy(acc.at[pl.ds(s * RPT, RPT)],
                    out_hbm.at[c, pl.ds(s * RPT, RPT)])



def _dinv_body(d0_ref, d1_ref, out_ref):
    d = d0_ref[...] + d1_ref[...] + 1.0
    out_ref[...] = lax.rsqrt(d)


def _tc_dinv(degp):
    deg2 = degp.reshape(NCORES, NP // 128, 128)
    return pl.pallas_call(
        _dinv_body,
        out_shape=jax.ShapeDtypeStruct((NP // 128, 128), jnp.float32),
    )(deg2[0], deg2[1])


def _m1_body(x_ref, w_ref, dinv_ref, out_ref):
    mm = jnp.dot(x_ref[...], w_ref[...], preferred_element_type=jnp.float32)
    out_ref[...] = mm * dinv_ref[...]


def _tc_m1(xp, W1, dinv):
    blk = 1280
    g = NP // blk
    return pl.pallas_call(
        _m1_body,
        grid=(g,),
        in_specs=[
            pl.BlockSpec((blk, F_IN), lambda i: (i, 0)),
            pl.BlockSpec((F_IN, H), lambda i: (0, 0)),
            pl.BlockSpec((blk, 1), lambda i: (i, 0)),
        ],
        out_specs=pl.BlockSpec((blk, H), lambda i: (i, 0)),
        out_shape=jax.ShapeDtypeStruct((NP, H), jnp.float32),
    )(xp, W1, dinv)


def _layer_body(sp_ref, m_ref, dinv_ref, b_ref, w_ref, xprev_ref, mnext_ref):
    t = (sp_ref[0] + sp_ref[1] + m_ref[...]) * dinv_ref[...] + b_ref[...]
    xprev = jnp.tanh(t)
    xprev_ref[...] = xprev
    mm = jnp.dot(xprev, w_ref[...], preferred_element_type=jnp.float32)
    mnext_ref[...] = mm * dinv_ref[...]


def _tc_layer(sp, m, dinv, b, W):
    blk = 1280
    g = NP // blk
    return pl.pallas_call(
        _layer_body,
        grid=(g,),
        in_specs=[
            pl.BlockSpec((NCORES, blk, H), lambda i: (0, i, 0)),
            pl.BlockSpec((blk, H), lambda i: (i, 0)),
            pl.BlockSpec((blk, 1), lambda i: (i, 0)),
            pl.BlockSpec((1, H), lambda i: (0, 0)),
            pl.BlockSpec((H, H), lambda i: (0, 0)),
        ],
        out_specs=[
            pl.BlockSpec((blk, H), lambda i: (i, 0)),
            pl.BlockSpec((blk, H), lambda i: (i, 0)),
        ],
        out_shape=[
            jax.ShapeDtypeStruct((NP, H), jnp.float32),
            jax.ShapeDtypeStruct((NP, H), jnp.float32),
        ],
    )(sp, m, dinv, b, W)


def _final_body(sp_ref, m_ref, dinv_ref, b_ref, x3_ref):
    t = (sp_ref[0] + sp_ref[1] + m_ref[...]) * dinv_ref[...] + b_ref[...]
    x3_ref[...] = jnp.tanh(t)


def _tc_final(sp, m, dinv, b):
    blk = 1280
    g = NP // blk
    return pl.pallas_call(
        _final_body,
        grid=(g,),
        in_specs=[
            pl.BlockSpec((NCORES, blk, H), lambda i: (0, i, 0)),
            pl.BlockSpec((blk, H), lambda i: (i, 0)),
            pl.BlockSpec((blk, 1), lambda i: (i, 0)),
            pl.BlockSpec((1, H), lambda i: (0, 0)),
        ],
        out_specs=pl.BlockSpec((blk, H), lambda i: (i, 0)),
        out_shape=jax.ShapeDtypeStruct((NP, H), jnp.float32),
    )(sp, m, dinv, b)



def kernel(x, edge_index, batch, W1, b1, W2, b2, W3, b3,
           Wc1, bc1, Wc2, bc2, Wfc, bfc):
    src = edge_index[0].astype(jnp.int32)
    dst = edge_index[1].astype(jnp.int32)
    pad = jnp.full((EP - E,), N, dtype=jnp.int32)
    src2 = jnp.concatenate([src, pad]).reshape(NW * CH, CHUNK)
    dst2 = jnp.concatenate([dst, pad]).reshape(NW * CH, CHUNK)

    xp = jnp.zeros((NP, F_IN), jnp.float32).at[:N].set(x)
    z1 = jnp.zeros((NP,), jnp.float32)
    z2 = jnp.zeros((NP, H), jnp.float32)

    degp = _sc_degree(dst2, z1)
    dinv = _tc_dinv(degp).reshape(NP, 1)

    m1 = _tc_m1(xp, W1, dinv)
    s1 = _sc_scatter(m1, src2, dst2, z2)
    x1, m2 = _tc_layer(s1, m1, dinv, b1.reshape(1, H), W2)
    s2 = _sc_scatter(m2, src2, dst2, z2)
    x2, m3 = _tc_layer(s2, m2, dinv, b2.reshape(1, H), W3)
    s3 = _sc_scatter(m3, src2, dst2, z2)
    x3 = _tc_final(s3, m3, dinv, b3.reshape(1, H))

    xc = jnp.concatenate([x1[:N], x2[:N], x3[:N]], axis=1)
    keys = xc[:, -1]
    NEG = jnp.float32(-1e30)
    mask = batch[None, :] == jnp.arange(B)[:, None]
    masked = jnp.where(mask, keys[None, :], NEG)
    topv, topi = jax.lax.top_k(masked, K)
    feats = xc[topi]
    feats = jnp.where((topv > NEG / 2)[..., None], feats, 0.0)
    dn = ("NCH", "OIH", "NCH")
    y = jax.lax.conv_general_dilated(feats, Wc1, (4,), "VALID",
                                     dimension_numbers=dn) + bc1[None, :, None]
    y = jax.nn.relu(y)
    b_, c_, l_ = y.shape
    y = y[:, :, : (l_ // 4) * 4].reshape(b_, c_, l_ // 4, 4).max(-1)
    y = jax.lax.conv_general_dilated(y, Wc2, (3,), "VALID",
                                     dimension_numbers=dn) + bc2[None, :, None]
    y = jax.nn.relu(y)
    b_, c_, l_ = y.shape
    y = y[:, :, : (l_ // 4) * 4].reshape(b_, c_, l_ // 4, 4).max(-1)
    xflat = y.reshape(b_, -1)
    c = jax.nn.relu(xflat) @ Wfc + bfc
    return (c, xflat)

# --- scband reference (transcript-rebuilt; emitter-appended) ---
"""Pipeline reference for scband-dccnn-50397146251352 (READ-ONLY COPY).

The authoritative reference and input builder live on the scoring server;
editing this copy changes nothing except your own understanding.
"""

import jax, jax.numpy as jnp
import numpy as np

N = 10000
E = 320000
F_IN = 128
H = 64
B = 64
K = 10
NC = 10


def setup_inputs(seed: int = 0):
    key = jax.random.key(seed)
    ks = jax.random.split(key, 12)
    x = jax.random.normal(ks[0], (N, F_IN), dtype=jnp.float32)
    edge_index = jax.random.randint(ks[1], (2, E), 0, N)
    batch = jnp.sort(jax.random.randint(ks[2], (N,), 0, B))
    W1 = jax.random.normal(ks[3], (F_IN, H), dtype=jnp.float32) / np.sqrt(F_IN)
    b1 = jnp.zeros((H,), jnp.float32)
    W2 = jax.random.normal(ks[4], (H, H), dtype=jnp.float32) / np.sqrt(H)
    b2 = jnp.zeros((H,), jnp.float32)
    W3 = jax.random.normal(ks[5], (H, H), dtype=jnp.float32) / np.sqrt(H)
    b3 = jnp.zeros((H,), jnp.float32)
    Wc1 = jax.random.normal(ks[6], (32, 10, 4), dtype=jnp.float32) * 0.1
    bc1 = jnp.zeros((32,), jnp.float32)
    Wc2 = jax.random.normal(ks[7], (64, 32, 3), dtype=jnp.float32) * 0.1
    bc2 = jnp.zeros((64,), jnp.float32)
    Wfc = jax.random.normal(ks[8], (64, NC), dtype=jnp.float32) * 0.1
    bfc = jnp.zeros((NC,), jnp.float32)
    return {"x": x, "edge_index": edge_index, "batch": batch, "W1": W1, "b1": b1, "W2": W2, "b2": b2, "W3": W3, "b3": b3, "Wc1": Wc1, "bc1": bc1, "Wc2": Wc2, "bc2": bc2, "Wfc": Wfc, "bfc": bfc}


def reference(x, edge_index, batch, W1, b1, W2, b2, W3, b3, Wc1, bc1, Wc2, bc2, Wfc, bfc):
    n = x.shape[0]
    loops = jnp.arange(n)
    src = jnp.concatenate([edge_index[0], loops])
    dst = jnp.concatenate([edge_index[1], loops])
    deg = jnp.zeros((n,), x.dtype).at[dst].add(1.0)
    dinv = jax.lax.rsqrt(deg)
    norm = (dinv[src] * dinv[dst])[:, None]

    def gcn(h, W, b):
        m = h @ W
        out = jnp.zeros((n, W.shape[1]), x.dtype).at[dst].add(m[src] * norm)
        return out + b

    x1 = jnp.tanh(gcn(x, W1, b1))
    x2 = jnp.tanh(gcn(x1, W2, b2))
    x3 = jnp.tanh(gcn(x2, W3, b3))
    xc = jnp.concatenate([x1, x2, x3], axis=1)
    keys = xc[:, -1]
    NEG = jnp.float32(-1e30)
    mask = batch[None, :] == jnp.arange(B)[:, None]
    masked = jnp.where(mask, keys[None, :], NEG)
    topv, topi = jax.lax.top_k(masked, K)
    feats = xc[topi]
    feats = jnp.where((topv > NEG / 2)[..., None], feats, 0.0)
    dn = ("NCH", "OIH", "NCH")
    y = jax.lax.conv_general_dilated(feats, Wc1, (4,), "VALID", dimension_numbers=dn) + bc1[None, :, None]
    y = jax.nn.relu(y)
    b_, c_, l_ = y.shape
    y = y[:, :, : (l_ // 4) * 4].reshape(b_, c_, l_ // 4, 4).max(-1)
    y = jax.lax.conv_general_dilated(y, Wc2, (3,), "VALID", dimension_numbers=dn) + bc2[None, :, None]
    y = jax.nn.relu(y)
    b_, c_, l_ = y.shape
    y = y[:, :, : (l_ // 4) * 4].reshape(b_, c_, l_ // 4, 4).max(-1)
    xflat = y.reshape(b_, -1)
    c = jax.nn.relu(xflat) @ Wfc + bfc
    return (c, xflat)

if __name__ == "__main__":
    import jax
    _d = setup_inputs()
    print(jax.jit(kernel)(*tuple(_d.values())))

</pallas_src>

<mosaic_0001>
#map = affine_map<(d0, d1) -> (0, 0)>
#map1 = affine_map<(d0, d1) -> (0, 0, 0)>
module attributes {stable_mosaic.version = 14 : i64} {
  func.func @_sc_scatter(%arg0: i32, %arg1: i32, %arg2: memref<10240x64xf32, #tpu.memory_space<hbm>>, %arg3: memref<2560x128xi32, #tpu.memory_space<hbm>>, %arg4: memref<2560x128xi32, #tpu.memory_space<hbm>>, %arg5: memref<10240x64xf32, #tpu.memory_space<hbm>>, %arg6: memref<2x10240x64xf32, #tpu.memory_space<hbm>>, %arg7: memref<80x128xi32, #tpu.memory_space<vmem>>, %arg8: memref<80x128xi32, #tpu.memory_space<vmem>>, %arg9: memref<128x64xf32, #tpu.memory_space<vmem>>, %arg10: memref<10240x64xf32, #tpu.memory_space<vmem_shared>>, %arg11: memref<!tpu.dma_semaphore, #tpu.memory_space<semaphore_mem>>) attributes {dimension_semantics = [#tpu.dimension_semantics<core_parallel>, #tpu.dimension_semantics<subcore_parallel>], iteration_bounds = array<i64: 2, 16>, scalar_prefetch = 0 : i64, scratch_operands = 5 : i64, tpu.core_type = #tpu.core_type<sc_vector_subcore>, window_params = [{transform_indices = #map}, {transform_indices = #map}, {transform_indices = #map}, {transform_indices = #map}, {transform_indices = #map1}]} {
    %mul3A = arith.constant 2 : i32
    %mul3A_0 = arith.muli %arg1, %mul3A : i32
    %add3A = arith.addi %mul3A_0, %arg0 : i32
    %mul3A_1 = arith.constant 640 : i32
    %mul3A_2 = arith.muli %arg1, %mul3A_1 : i32
    %mul3A_3 = arith.constant 640 : i32
    %mul3A_4 = arith.muli %arg1, %mul3A_3 : i32
    "tpu.region"() ({
      %run_scoped3A = tpu.sem_alloc : memref<!tpu.dma_semaphore, #tpu.memory_space<semaphore_mem>>
      %dma_start3A = arith.constant 0 : i32
      %dma_start3A_19 = tpu.memref_slice %arg10[%mul3A_4, %dma_start3A] : memref<10240x64xf32, #tpu.memory_space<vmem_shared>> -> memref<640x64xf32, #tpu.memory_space<vmem_shared>>
      %dma_start3A_20 = arith.constant 0 : i32
      %dma_start3A_21 = tpu.memref_slice %arg5[%mul3A_2, %dma_start3A_20] : memref<10240x64xf32, #tpu.memory_space<hbm>> -> memref<640x64xf32, #tpu.memory_space<hbm>>
      tpu.enqueue_dma source(%dma_start3A_21 : memref<640x64xf32, #tpu.memory_space<hbm>>) target(%dma_start3A_19 : memref<640x64xf32, #tpu.memory_space<vmem_shared>>) target_semaphore(%run_scoped3A : memref<!tpu.dma_semaphore, #tpu.memory_space<semaphore_mem>>)
      %dma_wait3A = arith.constant 0 : i32
      %dma_wait3A_22 = tpu.memref_slice %arg10[%mul3A_4, %dma_wait3A] : memref<10240x64xf32, #tpu.memory_space<vmem_shared>> -> memref<640x64xf32, #tpu.memory_space<vmem_shared>>
      %dma_wait3A_23 = arith.constant 0 : i32
      %dma_wait3A_24 = tpu.memref_slice %arg5[%mul3A_2, %dma_wait3A_23] : memref<10240x64xf32, #tpu.memory_space<hbm>> -> memref<640x64xf32, #tpu.memory_space<hbm>>
      tpu.wait_dma2 semaphore(%run_scoped3A : memref<!tpu.dma_semaphore, #tpu.memory_space<semaphore_mem>>) src(%dma_wait3A_24 : memref<640x64xf32, #tpu.memory_space<hbm>>) dst(%dma_wait3A_22 : memref<640x64xf32, #tpu.memory_space<vmem_shared>>)
      tpu.yield
    }) : () -> ()
    %mul3A_5 = arith.constant 80 : i32
    %mul3A_6 = arith.muli %add3A, %mul3A_5 : i32
    "tpu.region"() ({
      %run_scoped3A = tpu.sem_alloc : memref<!tpu.dma_semaphore, #tpu.memory_space<semaphore_mem>>
      %dma_start3A = arith.constant 0 : i32
      %dma_start3A_19 = tpu.memref_slice %arg3[%mul3A_6, %dma_start3A] : memref<2560x128xi32, #tpu.memory_space<hbm>> -> memref<80x128xi32, #tpu.memory_space<hbm>>
      %dma_start3A_20 = arith.constant 0 : i32
      %dma_start3A_21 = tpu.memref_slice %arg3[%mul3A_6, %dma_start3A_20] : memref<2560x128xi32, #tpu.memory_space<hbm>> -> memref<80x128xi32, #tpu.memory_space<hbm>>
      tpu.enqueue_dma source(%dma_start3A_21 : memref<80x128xi32, #tpu.memory_space<hbm>>) target(%arg7 : memref<80x128xi32, #tpu.memory_space<vmem>>) target_semaphore(%run_scoped3A : memref<!tpu.dma_semaphore, #tpu.memory_space<semaphore_mem>>)
      %dma_wait3A = arith.constant 0 : i32
      %dma_wait3A_22 = tpu.memref_slice %arg3[%mul3A_6, %dma_wait3A] : memref<2560x128xi32, #tpu.memory_space<hbm>> -> memref<80x128xi32, #tpu.memory_space<hbm>>
      %dma_wait3A_23 = arith.constant 0 : i32
      %dma_wait3A_24 = tpu.memref_slice %arg3[%mul3A_6, %dma_wait3A_23] : memref<2560x128xi32, #tpu.memory_space<hbm>> -> memref<80x128xi32, #tpu.memory_space<hbm>>
      tpu.wait_dma2 semaphore(%run_scoped3A : memref<!tpu.dma_semaphore, #tpu.memory_space<semaphore_mem>>) src(%dma_wait3A_24 : memref<80x128xi32, #tpu.memory_space<hbm>>) dst(%arg7 : memref<80x128xi32, #tpu.memory_space<vmem>>)
      tpu.yield
    }) : () -> ()
    %mul3A_7 = arith.constant 80 : i32
    %mul3A_8 = arith.muli %add3A, %mul3A_7 : i32
    "tpu.region"() ({
      %run_scoped3A = tpu.sem_alloc : memref<!tpu.dma_semaphore, #tpu.memory_space<semaphore_mem>>
      %dma_start3A = arith.constant 0 : i32
      %dma_start3A_19 = tpu.memref_slice %arg4[%mul3A_8, %dma_start3A] : memref<2560x128xi32, #tpu.memory_space<hbm>> -> memref<80x128xi32, #tpu.memory_space<hbm>>
      %dma_start3A_20 = arith.constant 0 : i32
      %dma_start3A_21 = tpu.memref_slice %arg4[%mul3A_8, %dma_start3A_20] : memref<2560x128xi32, #tpu.memory_space<hbm>> -> memref<80x128xi32, #tpu.memory_space<hbm>>
      tpu.enqueue_dma source(%dma_start3A_21 : memref<80x128xi32, #tpu.memory_space<hbm>>) target(%arg8 : memref<80x128xi32, #tpu.memory_space<vmem>>) target_semaphore(%run_scoped3A : memref<!tpu.dma_semaphore, #tpu.memory_space<semaphore_mem>>)
      %dma_wait3A = arith.constant 0 : i32
      %dma_wait3A_22 = tpu.memref_slice %arg4[%mul3A_8, %dma_wait3A] : memref<2560x128xi32, #tpu.memory_space<hbm>> -> memref<80x128xi32, #tpu.memory_space<hbm>>
      %dma_wait3A_23 = arith.constant 0 : i32
      %dma_wait3A_24 = tpu.memref_slice %arg4[%mul3A_8, %dma_wait3A_23] : memref<2560x128xi32, #tpu.memory_space<hbm>> -> memref<80x128xi32, #tpu.memory_space<hbm>>
      tpu.wait_dma2 semaphore(%run_scoped3A : memref<!tpu.dma_semaphore, #tpu.memory_space<semaphore_mem>>) src(%dma_wait3A_24 : memref<80x128xi32, #tpu.memory_space<hbm>>) dst(%arg8 : memref<80x128xi32, #tpu.memory_space<vmem>>)
      tpu.yield
    }) : () -> ()
    %barrier3A = arith.constant 0 : index
    tpu.barrier barrier_id(%barrier3A)
    %scan3A = arith.constant 0 : i32
    %scan3A_9 = arith.constant 0 : i32
    %scan3A_10 = arith.constant 80 : i32
    %scan3A_11 = arith.addi %scan3A_9, %scan3A_10 : i32
    %scan3A_12 = arith.constant 1 : i32
    scf.for %scan3A_19 = %scan3A_9 to %scan3A_11 step %scan3A_12  : i32 {
      %dma_start3A = arith.constant 0 : i32
      %dma_start3A_20 = tpu.memref_slice %arg7[%scan3A_19, %dma_start3A] : memref<80x128xi32, #tpu.memory_space<vmem>> -> memref<1x128xi32, #tpu.memory_space<vmem>>
      %dma_start3A_21 = tpu.memref_squeeze %dma_start3A_20 : memref<1x128xi32, #tpu.memory_space<vmem>> -> memref<128xi32, #tpu.memory_space<vmem>>
      %dma_start3A_22 = arith.constant 0 : i32
      %dma_start3A_23 = arith.constant 0 : i32
      %dma_start3A_24 = tpu.memref_slice %arg2[%dma_start3A_22, %dma_start3A_23] : memref<10240x64xf32, #tpu.memory_space<hbm>> -> memref<10240x64xf32, #tpu.memory_space<hbm>>
      tpu.enqueue_indirect_dma source(%dma_start3A_24 : memref<10240x64xf32, #tpu.memory_space<hbm>>) target(%arg9 : memref<128x64xf32, #tpu.memory_space<vmem>>) offsets(%dma_start3A_21 : memref<128xi32, #tpu.memory_space<vmem>>) semaphore(%arg11 : memref<!tpu.dma_semaphore, #tpu.memory_space<semaphore_mem>>)
      %dma_wait3A = arith.constant 0 : i32
      %dma_wait3A_25 = tpu.memref_slice %arg7[%scan3A_19, %dma_wait3A] : memref<80x128xi32, #tpu.memory_space<vmem>> -> memref<1x128xi32, #tpu.memory_space<vmem>>
      %dma_wait3A_26 = tpu.memref_squeeze %dma_wait3A_25 : memref<1x128xi32, #tpu.memory_space<vmem>> -> memref<128xi32, #tpu.memory_space<vmem>>
      %dma_wait3A_27 = arith.constant 0 : i32
      %dma_wait3A_28 = arith.constant 0 : i32
      %dma_wait3A_29 = tpu.memref_slice %arg2[%dma_wait3A_27, %dma_wait3A_28] : memref<10240x64xf32, #tpu.memory_space<hbm>> -> memref<10240x64xf32, #tpu.memory_space<hbm>>
      tpu.wait_indirect_dma semaphore(%arg11 : memref<!tpu.dma_semaphore, #tpu.memory_space<semaphore_mem>>) src(%dma_wait3A_29 : memref<10240x64xf32, #tpu.memory_space<hbm>>) dst(%arg9 : memref<128x64xf32, #tpu.memory_space<vmem>>)
      "tpu.region"() ({
        %run_scoped3A = tpu.sem_alloc : memref<!tpu.dma_semaphore, #tpu.memory_space<semaphore_mem>>
        %dma_start3A_30 = arith.constant 0 : i32
        %dma_start3A_31 = tpu.memref_slice %arg8[%scan3A_19, %dma_start3A_30] : memref<80x128xi32, #tpu.memory_space<vmem>> -> memref<1x128xi32, #tpu.memory_space<vmem>>
        %dma_start3A_32 = tpu.memref_squeeze %dma_start3A_31 : memref<1x128xi32, #tpu.memory_space<vmem>> -> memref<128xi32, #tpu.memory_space<vmem>>
        %dma_start3A_33 = arith.constant 0 : i32
        %dma_start3A_34 = arith.constant 0 : i32
        %dma_start3A_35 = tpu.memref_slice %arg10[%dma_start3A_33, %dma_start3A_34] : memref<10240x64xf32, #tpu.memory_space<vmem_shared>> -> memref<10240x64xf32, #tpu.memory_space<vmem_shared>>
        tpu.enqueue_indirect_dma source(%arg9 : memref<128x64xf32, #tpu.memory_space<vmem>>) target(%dma_start3A_35 : memref<10240x64xf32, #tpu.memory_space<vmem_shared>>) offsets(%dma_start3A_32 : memref<128xi32, #tpu.memory_space<vmem>>) semaphore(%run_scoped3A : memref<!tpu.dma_semaphore, #tpu.memory_space<semaphore_mem>>) {add = true}
        %dma_wait3A_36 = arith.constant 0 : i32
        %dma_wait3A_37 = tpu.memref_slice %arg8[%scan3A_19, %dma_wait3A_36] : memref<80x128xi32, #tpu.memory_space<vmem>> -> memref<1x128xi32, #tpu.memory_space<vmem>>
        %dma_wait3A_38 = tpu.memref_squeeze %dma_wait3A_37 : memref<1x128xi32, #tpu.memory_space<vmem>> -> memref<128xi32, #tpu.memory_space<vmem>>
        %dma_wait3A_39 = arith.constant 0 : i32
        %dma_wait3A_40 = arith.constant 0 : i32
        %dma_wait3A_41 = tpu.memref_slice %arg10[%dma_wait3A_39, %dma_wait3A_40] : memref<10240x64xf32, #tpu.memory_space<vmem_shared>> -> memref<10240x64xf32, #tpu.memory_space<vmem_shared>>
        tpu.wait_indirect_dma semaphore(%run_scoped3A : memref<!tpu.dma_semaphore, #tpu.memory_space<semaphore_mem>>) src(%arg9 : memref<128x64xf32, #tpu.memory_space<vmem>>) dst(%dma_wait3A_41 : memref<10240x64xf32, #tpu.memory_space<vmem_shared>>)
        tpu.yield
      }) : () -> ()
    }
    %scan3A_13 = arith.constant 80 : i32
    %barrier3A_14 = arith.constant 0 : index
    tpu.barrier barrier_id(%barrier3A_14)
    %mul3A_15 = arith.constant 640 : i32
    %mul3A_16 = arith.muli %arg1, %mul3A_15 : i32
    %mul3A_17 = arith.constant 640 : i32
    %mul3A_18 = arith.muli %arg1, %mul3A_17 : i32
    "tpu.region"() ({
      %run_scoped3A = tpu.sem_alloc : memref<!tpu.dma_semaphore, #tpu.memory_space<semaphore_mem>>
      %dma_start3A = arith.constant 0 : i32
      %dma_start3A_19 = tpu.memref_slice %arg6[%arg0, %mul3A_18, %dma_start3A] : memref<2x10240x64xf32, #tpu.memory_space<hbm>> -> memref<1x640x64xf32, #tpu.memory_space<hbm>>
      %dma_start3A_20 = tpu.memref_squeeze %dma_start3A_19 : memref<1x640x64xf32, #tpu.memory_space<hbm>> -> memref<640x64xf32, #tpu.memory_space<hbm>>
      %dma_start3A_21 = arith.constant 0 : i32
      %dma_start3A_22 = tpu.memref_slice %arg10[%mul3A_16, %dma_start3A_21] : memref<10240x64xf32, #tpu.memory_space<vmem_shared>> -> memref<640x64xf32, #tpu.memory_space<vmem_shared>>
      tpu.enqueue_dma source(%dma_start3A_22 : memref<640x64xf32, #tpu.memory_space<vmem_shared>>) target(%dma_start3A_20 : memref<640x64xf32, #tpu.memory_space<hbm>>) target_semaphore(%run_scoped3A : memref<!tpu.dma_semaphore, #tpu.memory_space<semaphore_mem>>)
      %dma_wait3A = arith.constant 0 : i32
      %dma_wait3A_23 = tpu.memref_slice %arg6[%arg0, %mul3A_18, %dma_wait3A] : memref<2x10240x64xf32, #tpu.memory_space<hbm>> -> memref<1x640x64xf32, #tpu.memory_space<hbm>>
      %dma_wait3A_24 = tpu.memref_squeeze %dma_wait3A_23 : memref<1x640x64xf32, #tpu.memory_space<hbm>> -> memref<640x64xf32, #tpu.memory_space<hbm>>
      %dma_wait3A_25 = arith.constant 0 : i32
      %dma_wait3A_26 = tpu.memref_slice %arg10[%mul3A_16, %dma_wait3A_25] : memref<10240x64xf32, #tpu.memory_space<vmem_shared>> -> memref<640x64xf32, #tpu.memory_space<vmem_shared>>
      tpu.wait_dma2 semaphore(%run_scoped3A : memref<!tpu.dma_semaphore, #tpu.memory_space<semaphore_mem>>) src(%dma_wait3A_26 : memref<640x64xf32, #tpu.memory_space<vmem_shared>>) dst(%dma_wait3A_24 : memref<640x64xf32, #tpu.memory_space<hbm>>)
      tpu.yield
    }) : () -> ()
    return
  }
}

#map = affine_map<(d0, d1) -> (0, 0)>
#map1 = affine_map<(d0, d1) -> (0)>
module attributes {stable_mosaic.version = 14 : i64} {
  func.func @_sc_degree(%arg0: i32, %arg1: i32, %arg2: memref<2560x128xi32, #tpu.memory_space<hbm>>, %arg3: memref<10240xf32, #tpu.memory_space<hbm>>, %arg4: memref<20480xf32, #tpu.memory_space<hbm>>, %arg5: memref<80x128xi32, #tpu.memory_space<vmem>>, %arg6: memref<128xf32, #tpu.memory_space<vmem>>, %arg7: memref<10240xf32, #tpu.memory_space<vmem_shared>>) attributes {dimension_semantics = [#tpu.dimension_semantics<core_parallel>, #tpu.dimension_semantics<subcore_parallel>], iteration_bounds = array<i64: 2, 16>, scalar_prefetch = 0 : i64, scratch_operands = 3 : i64, tpu.core_type = #tpu.core_type<sc_vector_subcore>, window_params = [{transform_indices = #map}, {transform_indices = #map1}, {transform_indices = #map1}]} {
    %mul3A = arith.constant 2 : i32
    %mul3A_0 = arith.muli %arg1, %mul3A : i32
    %add3A = arith.addi %mul3A_0, %arg0 : i32
    %broadcast_in_dim3A = arith.constant 1.000000e+00 : f32
    %broadcast_in_dim3A_1 = vector.broadcast %broadcast_in_dim3A : f32 to vector<16xf32>
    %swap3A = arith.constant 0 : index
    %swap3A_2 = tpu.vector_load %arg6[%swap3A] {strides = array<i32>} : memref<128xf32, #tpu.memory_space<vmem>>, vector<16xf32>,
    %swap3A_3 = vector.shape_cast %swap3A_2 : vector<16xf32> to vector<16xf32>
    %swap3A_4 = vector.shape_cast %broadcast_in_dim3A_1 : vector<16xf32> to vector<16xf32>
    tpu.vector_store %arg6[%swap3A], %swap3A_4 {strides = array<i32>} : memref<128xf32, #tpu.memory_space<vmem>>, vector<16xf32>,
    %broadcast_in_dim3A_5 = arith.constant 1.000000e+00 : f32
    %broadcast_in_dim3A_6 = vector.broadcast %broadcast_in_dim3A_5 : f32 to vector<16xf32>
    %swap3A_7 = arith.constant 16 : index
    %swap3A_8 = tpu.vector_load %arg6[%swap3A_7] {strides = array<i32>} : memref<128xf32, #tpu.memory_space<vmem>>, vector<16xf32>,
    %swap3A_9 = vector.shape_cast %swap3A_8 : vector<16xf32> to vector<16xf32>
    %swap3A_10 = vector.shape_cast %broadcast_in_dim3A_6 : vector<16xf32> to vector<16xf32>
    tpu.vector_store %arg6[%swap3A_7], %swap3A_10 {strides = array<i32>} : memref<128xf32, #tpu.memory_space<vmem>>, vector<16xf32>,
    %broadcast_in_dim3A_11 = arith.constant 1.000000e+00 : f32
    %broadcast_in_dim3A_12 = vector.broadcast %broadcast_in_dim3A_11 : f32 to vector<16xf32>
    %swap3A_13 = arith.constant 32 : index
    %swap3A_14 = tpu.vector_load %arg6[%swap3A_13] {strides = array<i32>} : memref<128xf32, #tpu.memory_space<vmem>>, vector<16xf32>,
    %swap3A_15 = vector.shape_cast %swap3A_14 : vector<16xf32> to vector<16xf32>
    %swap3A_16 = vector.shape_cast %broadcast_in_dim3A_12 : vector<16xf32> to vector<16xf32>
    tpu.vector_store %arg6[%swap3A_13], %swap3A_16 {strides = array<i32>} : memref<128xf32, #tpu.memory_space<vmem>>, vector<16xf32>,
    %broadcast_in_dim3A_17 = arith.constant 1.000000e+00 : f32
    %broadcast_in_dim3A_18 = vector.broadcast %broadcast_in_dim3A_17 : f32 to vector<16xf32>
    %swap3A_19 = arith.constant 48 : index
    %swap3A_20 = tpu.vector_load %arg6[%swap3A_19] {strides = array<i32>} : memref<128xf32, #tpu.memory_space<vmem>>, vector<16xf32>,
    %swap3A_21 = vector.shape_cast %swap3A_20 : vector<16xf32> to vector<16xf32>
    %swap3A_22 = vector.shape_cast %broadcast_in_dim3A_18 : vector<16xf32> to vector<16xf32>
    tpu.vector_store %arg6[%swap3A_19], %swap3A_22 {strides = array<i32>} : memref<128xf32, #tpu.memory_space<vmem>>, vector<16xf32>,
    %broadcast_in_dim3A_23 = arith.constant 1.000000e+00 : f32
    %broadcast_in_dim3A_24 = vector.broadcast %broadcast_in_dim3A_23 : f32 to vector<16xf32>
    %swap3A_25 = arith.constant 64 : index
    %swap3A_26 = tpu.vector_load %arg6[%swap3A_25] {strides = array<i32>} : memref<128xf32, #tpu.memory_space<vmem>>, vector<16xf32>,
    %swap3A_27 = vector.shape_cast %swap3A_26 : vector<16xf32> to vector<16xf32>
    %swap3A_28 = vector.shape_cast %broadcast_in_dim3A_24 : vector<16xf32> to vector<16xf32>
    tpu.vector_store %arg6[%swap3A_25], %swap3A_28 {strides = array<i32>} : memref<128xf32, #tpu.memory_space<vmem>>, vector<16xf32>,
    %broadcast_in_dim3A_29 = arith.constant 1.000000e+00 : f32
    %broadcast_in_dim3A_30 = vector.broadcast %broadcast_in_dim3A_29 : f32 to vector<16xf32>
    %swap3A_31 = arith.constant 80 : index
    %swap3A_32 = tpu.vector_load %arg6[%swap3A_31] {strides = array<i32>} : memref<128xf32, #tpu.memory_space<vmem>>, vector<16xf32>,
    %swap3A_33 = vector.shape_cast %swap3A_32 : vector<16xf32> to vector<16xf32>
    %swap3A_34 = vector.shape_cast %broadcast_in_dim3A_30 : vector<16xf32> to vector<16xf32>
    tpu.vector_store %arg6[%swap3A_31], %swap3A_34 {strides = array<i32>} : memref<128xf32, #tpu.memory_space<vmem>>, vector<16xf32>,
    %broadcast_in_dim3A_35 = arith.constant 1.000000e+00 : f32
    %broadcast_in_dim3A_36 = vector.broadcast %broadcast_in_dim3A_35 : f32 to vector<16xf32>
    %swap3A_37 = arith.constant 96 : index
    %swap3A_38 = tpu.vector_load %arg6[%swap3A_37] {strides = array<i32>} : memref<128xf32, #tpu.memory_space<vmem>>, vector<16xf32>,
    %swap3A_39 = vector.shape_cast %swap3A_38 : vector<16xf32> to vector<16xf32>
    %swap3A_40 = vector.shape_cast %broadcast_in_dim3A_36 : vector<16xf32> to vector<16xf32>
    tpu.vector_store %arg6[%swap3A_37], %swap3A_40 {strides = array<i32>} : memref<128xf32, #tpu.memory_space<vmem>>, vector<16xf32>,
    %broadcast_in_dim3A_41 = arith.constant 1.000000e+00 : f32
    %broadcast_in_dim3A_42 = vector.broadcast %broadcast_in_dim3A_41 : f32 to vector<16xf32>
    %swap3A_43 = arith.constant 112 : index
    %swap3A_44 = tpu.vector_load %arg6[%swap3A_43] {strides = array<i32>} : memref<128xf32, #tpu.memory_space<vmem>>, vector<16xf32>,
    %swap3A_45 = vector.shape_cast %swap3A_44 : vector<16xf32> to vector<16xf32>
    %swap3A_46 = vector.shape_cast %broadcast_in_dim3A_42 : vector<16xf32> to vector<16xf32>
    tpu.vector_store %arg6[%swap3A_43], %swap3A_46 {strides = array<i32>} : memref<128xf32, #tpu.memory_space<vmem>>, vector<16xf32>,
    %mul3A_47 = arith.constant 640 : i32
    %mul3A_48 = arith.muli %arg1, %mul3A_47 : i32
    "tpu.region"() ({
      %run_scoped3A = tpu.sem_alloc : memref<!tpu.dma_semaphore, #tpu.memory_space<semaphore_mem>>
      %dma_start3A = tpu.memref_slice %arg7[%mul3A_48] : memref<10240xf32, #tpu.memory_space<vmem_shared>> -> memref<640xf32, #tpu.memory_space<vmem_shared>>
      %dma_start3A_62 = tpu.memref_slice %arg3[%mul3A_48] : memref<10240xf32, #tpu.memory_space<hbm>> -> memref<640xf32, #tpu.memory_space<hbm>>
      tpu.enqueue_dma source(%dma_start3A_62 : memref<640xf32, #tpu.memory_space<hbm>>) target(%dma_start3A : memref<640xf32, #tpu.memory_space<vmem_shared>>) target_semaphore(%run_scoped3A : memref<!tpu.dma_semaphore, #tpu.memory_space<semaphore_mem>>)
      %dma_wait3A = tpu.memref_slice %arg7[%mul3A_48] : memref<10240xf32, #tpu.memory_space<vmem_shared>> -> memref<640xf32, #tpu.memory_space<vmem_shared>>
      %dma_wait3A_63 = tpu.memref_slice %arg3[%mul3A_48] : memref<10240xf32, #tpu.memory_space<hbm>> -> memref<640xf32, #tpu.memory_space<hbm>>
      tpu.wait_dma2 semaphore(%run_scoped3A : memref<!tpu.dma_semaphore, #tpu.memory_space<semaphore_mem>>) src(%dma_wait3A_63 : memref<640xf32, #tpu.memory_space<hbm>>) dst(%dma_wait3A : memref<640xf32, #tpu.memory_space<vmem_shared>>)
      tpu.yield
    }) : () -> ()
    %mul3A_49 = arith.constant 80 : i32
    %mul3A_50 = arith.muli %add3A, %mul3A_49 : i32
    "tpu.region"() ({
      %run_scoped3A = tpu.sem_alloc : memref<!tpu.dma_semaphore, #tpu.memory_space<semaphore_mem>>
      %dma_start3A = arith.constant 0 : i32
      %dma_start3A_62 = tpu.memref_slice %arg2[%mul3A_50, %dma_start3A] : memref<2560x128xi32, #tpu.memory_space<hbm>> -> memref<80x128xi32, #tpu.memory_space<hbm>>
      %dma_start3A_63 = arith.constant 0 : i32
      %dma_start3A_64 = tpu.memref_slice %arg2[%mul3A_50, %dma_start3A_63] : memref<2560x128xi32, #tpu.memory_space<hbm>> -> memref<80x128xi32, #tpu.memory_space<hbm>>
      tpu.enqueue_dma source(%dma_start3A_64 : memref<80x128xi32, #tpu.memory_space<hbm>>) target(%arg5 : memref<80x128xi32, #tpu.memory_space<vmem>>) target_semaphore(%run_scoped3A : memref<!tpu.dma_semaphore, #tpu.memory_space<semaphore_mem>>)
      %dma_wait3A = arith.constant 0 : i32
      %dma_wait3A_65 = tpu.memref_slice %arg2[%mul3A_50, %dma_wait3A] : memref<2560x128xi32, #tpu.memory_space<hbm>> -> memref<80x128xi32, #tpu.memory_space<hbm>>
      %dma_wait3A_66 = arith.constant 0 : i32
      %dma_wait3A_67 = tpu.memref_slice %arg2[%mul3A_50, %dma_wait3A_66] : memref<2560x128xi32, #tpu.memory_space<hbm>> -> memref<80x128xi32, #tpu.memory_space<hbm>>
      tpu.wait_dma2 semaphore(%run_scoped3A : memref<!tpu.dma_semaphore, #tpu.memory_space<semaphore_mem>>) src(%dma_wait3A_67 : memref<80x128xi32, #tpu.memory_space<hbm>>) dst(%arg5 : memref<80x128xi32, #tpu.memory_space<vmem>>)
      tpu.yield
    }) : () -> ()
    %barrier3A = arith.constant 0 : index
    tpu.barrier barrier_id(%barrier3A)
    %scan3A = arith.constant 0 : i32
    %scan3A_51 = arith.constant 0 : i32
    %scan3A_52 = arith.constant 80 : i32
    %scan3A_53 = arith.addi %scan3A_51, %scan3A_52 : i32
    %scan3A_54 = arith.constant 1 : i32
    scf.for %scan3A_62 = %scan3A_51 to %scan3A_53 step %scan3A_54  : i32 {
      "tpu.region"() ({
        %run_scoped3A = tpu.sem_alloc : memref<!tpu.dma_semaphore, #tpu.memory_space<semaphore_mem>>
        %dma_start3A = arith.constant 0 : i32
        %dma_start3A_63 = tpu.memref_slice %arg5[%scan3A_62, %dma_start3A] : memref<80x128xi32, #tpu.memory_space<vmem>> -> memref<1x128xi32, #tpu.memory_space<vmem>>
        %dma_start3A_64 = tpu.memref_squeeze %dma_start3A_63 : memref<1x128xi32, #tpu.memory_space<vmem>> -> memref<128xi32, #tpu.memory_space<vmem>>
        %dma_start3A_65 = arith.constant 0 : i32
        %dma_start3A_66 = tpu.memref_slice %arg7[%dma_start3A_65] : memref<10240xf32, #tpu.memory_space<vmem_shared>> -> memref<10240xf32, #tpu.memory_space<vmem_shared>>
        tpu.enqueue_indirect_dma source(%arg6 : memref<128xf32, #tpu.memory_space<vmem>>) target(%dma_start3A_66 : memref<10240xf32, #tpu.memory_space<vmem_shared>>) offsets(%dma_start3A_64 : memref<128xi32, #tpu.memory_space<vmem>>) semaphore(%run_scoped3A : memref<!tpu.dma_semaphore, #tpu.memory_space<semaphore_mem>>) {add = true}
        %dma_wait3A = arith.constant 0 : i32
        %dma_wait3A_67 = tpu.memref_slice %arg5[%scan3A_62, %dma_wait3A] : memref<80x128xi32, #tpu.memory_space<vmem>> -> memref<1x128xi32, #tpu.memory_space<vmem>>
        %dma_wait3A_68 = tpu.memref_squeeze %dma_wait3A_67 : memref<1x128xi32, #tpu.memory_space<vmem>> -> memref<128xi32, #tpu.memory_space<vmem>>
        %dma_wait3A_69 = arith.constant 0 : i32
        %dma_wait3A_70 = tpu.memref_slice %arg7[%dma_wait3A_69] : memref<10240xf32, #tpu.memory_space<vmem_shared>> -> memref<10240xf32, #tpu.memory_space<vmem_shared>>
        tpu.wait_indirect_dma semaphore(%run_scoped3A : memref<!tpu.dma_semaphore, #tpu.memory_space<semaphore_mem>>) src(%arg6 : memref<128xf32, #tpu.memory_space<vmem>>) dst(%dma_wait3A_70 : memref<10240xf32, #tpu.memory_space<vmem_shared>>)
        tpu.yield
      }) : () -> ()
    }
    %scan3A_55 = arith.constant 80 : i32
    %barrier3A_56 = arith.constant 0 : index
    tpu.barrier barrier_id(%barrier3A_56)
    %mul3A_57 = arith.constant 10240 : i32
    %mul3A_58 = arith.muli %arg0, %mul3A_57 : i32
    %mul3A_59 = arith.constant 640 : i32
    %mul3A_60 = arith.muli %arg1, %mul3A_59 : i32
    %add3A_61 = arith.addi %mul3A_58, %mul3A_60 : i32
    "tpu.region"() ({
      %run_scoped3A = tpu.sem_alloc : memref<!tpu.dma_semaphore, #tpu.memory_space<semaphore_mem>>
      %dma_start3A = tpu.memref_slice %arg4[%add3A_61] : memref<20480xf32, #tpu.memory_space<hbm>> -> memref<640xf32, #tpu.memory_space<hbm>>
      %dma_start3A_62 = tpu.memref_slice %arg7[%mul3A_48] : memref<10240xf32, #tpu.memory_space<vmem_shared>> -> memref<640xf32, #tpu.memory_space<vmem_shared>>
      tpu.enqueue_dma source(%dma_start3A_62 : memref<640xf32, #tpu.memory_space<vmem_shared>>) target(%dma_start3A : memref<640xf32, #tpu.memory_space<hbm>>) target_semaphore(%run_scoped3A : memref<!tpu.dma_semaphore, #tpu.memory_space<semaphore_mem>>)
      %dma_wait3A = tpu.memref_slice %arg4[%add3A_61] : memref<20480xf32, #tpu.memory_space<hbm>> -> memref<640xf32, #tpu.memory_space<hbm>>
      %dma_wait3A_63 = tpu.memref_slice %arg7[%mul3A_48] : memref<10240xf32, #tpu.memory_space<vmem_shared>> -> memref<640xf32, #tpu.memory_space<vmem_shared>>
      tpu.wait_dma2 semaphore(%run_scoped3A : memref<!tpu.dma_semaphore, #tpu.memory_space<semaphore_mem>>) src(%dma_wait3A_63 : memref<640xf32, #tpu.memory_space<vmem_shared>>) dst(%dma_wait3A : memref<640xf32, #tpu.memory_space<hbm>>)
      tpu.yield
    }) : () -> ()
    return
  }
}

#map = affine_map<(d0, d1) -> (0, 0)>
#map1 = affine_map<(d0, d1) -> (0, 0, 0)>
module attributes {stable_mosaic.version = 14 : i64} {
  func.func @_sc_scatter(%arg0: i32, %arg1: i32, %arg2: memref<10240x64xf32, #tpu.memory_space<hbm>>, %arg3: memref<2560x128xi32, #tpu.memory_space<hbm>>, %arg4: memref<2560x128xi32, #tpu.memory_space<hbm>>, %arg5: memref<10240x64xf32, #tpu.memory_space<hbm>>, %arg6: memref<2x10240x64xf32, #tpu.memory_space<hbm>>, %arg7: memref<80x128xi32, #tpu.memory_space<vmem>>, %arg8: memref<80x128xi32, #tpu.memory_space<vmem>>, %arg9: memref<128x64xf32, #tpu.memory_space<vmem>>, %arg10: memref<10240x64xf32, #tpu.memory_space<vmem_shared>>, %arg11: memref<!tpu.dma_semaphore, #tpu.memory_space<semaphore_mem>>) attributes {dimension_semantics = [#tpu.dimension_semantics<core_parallel>, #tpu.dimension_semantics<subcore_parallel>], iteration_bounds = array<i64: 2, 16>, scalar_prefetch = 0 : i64, scratch_operands = 5 : i64, tpu.core_type = #tpu.core_type<sc_vector_subcore>, window_params = [{transform_indices = #map}, {transform_indices = #map}, {transform_indices = #map}, {transform_indices = #map}, {transform_indices = #map1}]} {
    %mul3A = arith.constant 2 : i32
    %mul3A_0 = arith.muli %arg1, %mul3A : i32
    %add3A = arith.addi %mul3A_0, %arg0 : i32
    %mul3A_1 = arith.constant 640 : i32
    %mul3A_2 = arith.muli %arg1, %mul3A_1 : i32
    %mul3A_3 = arith.constant 640 : i32
    %mul3A_4 = arith.muli %arg1, %mul3A_3 : i32
    "tpu.region"() ({
      %run_scoped3A = tpu.sem_alloc : memref<!tpu.dma_semaphore, #tpu.memory_space<semaphore_mem>>
      %dma_start3A = arith.constant 0 : i32
      %dma_start3A_19 = tpu.memref_slice %arg10[%mul3A_4, %dma_start3A] : memref<10240x64xf32, #tpu.memory_space<vmem_shared>> -> memref<640x64xf32, #tpu.memory_space<vmem_shared>>
      %dma_start3A_20 = arith.constant 0 : i32
      %dma_start3A_21 = tpu.memref_slice %arg5[%mul3A_2, %dma_start3A_20] : memref<10240x64xf32, #tpu.memory_space<hbm>> -> memref<640x64xf32, #tpu.memory_space<hbm>>
      tpu.enqueue_dma source(%dma_start3A_21 : memref<640x64xf32, #tpu.memory_space<hbm>>) target(%dma_start3A_19 : memref<640x64xf32, #tpu.memory_space<vmem_shared>>) target_semaphore(%run_scoped3A : memref<!tpu.dma_semaphore, #tpu.memory_space<semaphore_mem>>)
      %dma_wait3A = arith.constant 0 : i32
      %dma_wait3A_22 = tpu.memref_slice %arg10[%mul3A_4, %dma_wait3A] : memref<10240x64xf32, #tpu.memory_space<vmem_shared>> -> memref<640x64xf32, #tpu.memory_space<vmem_shared>>
      %dma_wait3A_23 = arith.constant 0 : i32
      %dma_wait3A_24 = tpu.memref_slice %arg5[%mul3A_2, %dma_wait3A_23] : memref<10240x64xf32, #tpu.memory_space<hbm>> -> memref<640x64xf32, #tpu.memory_space<hbm>>
      tpu.wait_dma2 semaphore(%run_scoped3A : memref<!tpu.dma_semaphore, #tpu.memory_space<semaphore_mem>>) src(%dma_wait3A_24 : memref<640x64xf32, #tpu.memory_space<hbm>>) dst(%dma_wait3A_22 : memref<640x64xf32, #tpu.memory_space<vmem_shared>>)
      tpu.yield
    }) : () -> ()
    %mul3A_5 = arith.constant 80 : i32
    %mul3A_6 = arith.muli %add3A, %mul3A_5 : i32
    "tpu.region"() ({
      %run_scoped3A = tpu.sem_alloc : memref<!tpu.dma_semaphore, #tpu.memory_space<semaphore_mem>>
      %dma_start3A = arith.constant 0 : i32
      %dma_start3A_19 = tpu.memref_slice %arg3[%mul3A_6, %dma_start3A] : memref<2560x128xi32, #tpu.memory_space<hbm>> -> memref<80x128xi32, #tpu.memory_space<hbm>>
      %dma_start3A_20 = arith.constant 0 : i32
      %dma_start3A_21 = tpu.memref_slice %arg3[%mul3A_6, %dma_start3A_20] : memref<2560x128xi32, #tpu.memory_space<hbm>> -> memref<80x128xi32, #tpu.memory_space<hbm>>
      tpu.enqueue_dma source(%dma_start3A_21 : memref<80x128xi32, #tpu.memory_space<hbm>>) target(%arg7 : memref<80x128xi32, #tpu.memory_space<vmem>>) target_semaphore(%run_scoped3A : memref<!tpu.dma_semaphore, #tpu.memory_space<semaphore_mem>>)
      %dma_wait3A = arith.constant 0 : i32
      %dma_wait3A_22 = tpu.memref_slice %arg3[%mul3A_6, %dma_wait3A] : memref<2560x128xi32, #tpu.memory_space<hbm>> -> memref<80x128xi32, #tpu.memory_space<hbm>>
      %dma_wait3A_23 = arith.constant 0 : i32
      %dma_wait3A_24 = tpu.memref_slice %arg3[%mul3A_6, %dma_wait3A_23] : memref<2560x128xi32, #tpu.memory_space<hbm>> -> memref<80x128xi32, #tpu.memory_space<hbm>>
      tpu.wait_dma2 semaphore(%run_scoped3A : memref<!tpu.dma_semaphore, #tpu.memory_space<semaphore_mem>>) src(%dma_wait3A_24 : memref<80x128xi32, #tpu.memory_space<hbm>>) dst(%arg7 : memref<80x128xi32, #tpu.memory_space<vmem>>)
      tpu.yield
    }) : () -> ()
    %mul3A_7 = arith.constant 80 : i32
    %mul3A_8 = arith.muli %add3A, %mul3A_7 : i32
    "tpu.region"() ({
      %run_scoped3A = tpu.sem_alloc : memref<!tpu.dma_semaphore, #tpu.memory_space<semaphore_mem>>
      %dma_start3A = arith.constant 0 : i32
      %dma_start3A_19 = tpu.memref_slice %arg4[%mul3A_8, %dma_start3A] : memref<2560x128xi32, #tpu.memory_space<hbm>> -> memref<80x128xi32, #tpu.memory_space<hbm>>
      %dma_start3A_20 = arith.constant 0 : i32
      %dma_start3A_21 = tpu.memref_slice %arg4[%mul3A_8, %dma_start3A_20] : memref<2560x128xi32, #tpu.memory_space<hbm>> -> memref<80x128xi32, #tpu.memory_space<hbm>>
      tpu.enqueue_dma source(%dma_start3A_21 : memref<80x128xi32, #tpu.memory_space<hbm>>) target(%arg8 : memref<80x128xi32, #tpu.memory_space<vmem>>) target_semaphore(%run_scoped3A : memref<!tpu.dma_semaphore, #tpu.memory_space<semaphore_mem>>)
      %dma_wait3A = arith.constant 0 : i32
      %dma_wait3A_22 = tpu.memref_slice %arg4[%mul3A_8, %dma_wait3A] : memref<2560x128xi32, #tpu.memory_space<hbm>> -> memref<80x128xi32, #tpu.memory_space<hbm>>
      %dma_wait3A_23 = arith.constant 0 : i32
      %dma_wait3A_24 = tpu.memref_slice %arg4[%mul3A_8, %dma_wait3A_23] : memref<2560x128xi32, #tpu.memory_space<hbm>> -> memref<80x128xi32, #tpu.memory_space<hbm>>
      tpu.wait_dma2 semaphore(%run_scoped3A : memref<!tpu.dma_semaphore, #tpu.memory_space<semaphore_mem>>) src(%dma_wait3A_24 : memref<80x128xi32, #tpu.memory_space<hbm>>) dst(%arg8 : memref<80x128xi32, #tpu.memory_space<vmem>>)
      tpu.yield
    }) : () -> ()
    %barrier3A = arith.constant 0 : index
    tpu.barrier barrier_id(%barrier3A)
    %scan3A = arith.constant 0 : i32
    %scan3A_9 = arith.constant 0 : i32
    %scan3A_10 = arith.constant 80 : i32
    %scan3A_11 = arith.addi %scan3A_9, %scan3A_10 : i32
    %scan3A_12 = arith.constant 1 : i32
    scf.for %scan3A_19 = %scan3A_9 to %scan3A_11 step %scan3A_12  : i32 {
      %dma_start3A = arith.constant 0 : i32
      %dma_start3A_20 = tpu.memref_slice %arg7[%scan3A_19, %dma_start3A] : memref<80x128xi32, #tpu.memory_space<vmem>> -> memref<1x128xi32, #tpu.memory_space<vmem>>
      %dma_start3A_21 = tpu.memref_squeeze %dma_start3A_20 : memref<1x128xi32, #tpu.memory_space<vmem>> -> memref<128xi32, #tpu.memory_space<vmem>>
      %dma_start3A_22 = arith.constant 0 : i32
      %dma_start3A_23 = arith.constant 0 : i32
      %dma_start3A_24 = tpu.memref_slice %arg2[%dma_start3A_22, %dma_start3A_23] : memref<10240x64xf32, #tpu.memory_space<hbm>> -> memref<10240x64xf32, #tpu.memory_space<hbm>>
      tpu.enqueue_indirect_dma source(%dma_start3A_24 : memref<10240x64xf32, #tpu.memory_space<hbm>>) target(%arg9 : memref<128x64xf32, #tpu.memory_space<vmem>>) offsets(%dma_start3A_21 : memref<128xi32, #tpu.memory_space<vmem>>) semaphore(%arg11 : memref<!tpu.dma_semaphore, #tpu.memory_space<semaphore_mem>>)
      %dma_wait3A = arith.constant 0 : i32
      %dma_wait3A_25 = tpu.memref_slice %arg7[%scan3A_19, %dma_wait3A] : memref<80x128xi32, #tpu.memory_space<vmem>> -> memref<1x128xi32, #tpu.memory_space<vmem>>
      %dma_wait3A_26 = tpu.memref_squeeze %dma_wait3A_25 : memref<1x128xi32, #tpu.memory_space<vmem>> -> memref<128xi32, #tpu.memory_space<vmem>>
      %dma_wait3A_27 = arith.constant 0 : i32
      %dma_wait3A_28 = arith.constant 0 : i32
      %dma_wait3A_29 = tpu.memref_slice %arg2[%dma_wait3A_27, %dma_wait3A_28] : memref<10240x64xf32, #tpu.memory_space<hbm>> -> memref<10240x64xf32, #tpu.memory_space<hbm>>
      tpu.wait_indirect_dma semaphore(%arg11 : memref<!tpu.dma_semaphore, #tpu.memory_space<semaphore_mem>>) src(%dma_wait3A_29 : memref<10240x64xf32, #tpu.memory_space<hbm>>) dst(%arg9 : memref<128x64xf32, #tpu.memory_space<vmem>>)
      "tpu.region"() ({
        %run_scoped3A = tpu.sem_alloc : memref<!tpu.dma_semaphore, #tpu.memory_space<semaphore_mem>>
        %dma_start3A_30 = arith.constant 0 : i32
        %dma_start3A_31 = tpu.memref_slice %arg8[%scan3A_19, %dma_start3A_30] : memref<80x128xi32, #tpu.memory_space<vmem>> -> memref<1x128xi32, #tpu.memory_space<vmem>>
        %dma_start3A_32 = tpu.memref_squeeze %dma_start3A_31 : memref<1x128xi32, #tpu.memory_space<vmem>> -> memref<128xi32, #tpu.memory_space<vmem>>
        %dma_start3A_33 = arith.constant 0 : i32
        %dma_start3A_34 = arith.constant 0 : i32
        %dma_start3A_35 = tpu.memref_slice %arg10[%dma_start3A_33, %dma_start3A_34] : memref<10240x64xf32, #tpu.memory_space<vmem_shared>> -> memref<10240x64xf32, #tpu.memory_space<vmem_shared>>
        tpu.enqueue_indirect_dma source(%arg9 : memref<128x64xf32, #tpu.memory_space<vmem>>) target(%dma_start3A_35 : memref<10240x64xf32, #tpu.memory_space<vmem_shared>>) offsets(%dma_start3A_32 : memref<128xi32, #tpu.memory_space<vmem>>) semaphore(%run_scoped3A : memref<!tpu.dma_semaphore, #tpu.memory_space<semaphore_mem>>) {add = true}
        %dma_wait3A_36 = arith.constant 0 : i32
        %dma_wait3A_37 = tpu.memref_slice %arg8[%scan3A_19, %dma_wait3A_36] : memref<80x128xi32, #tpu.memory_space<vmem>> -> memref<1x128xi32, #tpu.memory_space<vmem>>
        %dma_wait3A_38 = tpu.memref_squeeze %dma_wait3A_37 : memref<1x128xi32, #tpu.memory_space<vmem>> -> memref<128xi32, #tpu.memory_space<vmem>>
        %dma_wait3A_39 = arith.constant 0 : i32
        %dma_wait3A_40 = arith.constant 0 : i32
        %dma_wait3A_41 = tpu.memref_slice %arg10[%dma_wait3A_39, %dma_wait3A_40] : memref<10240x64xf32, #tpu.memory_space<vmem_shared>> -> memref<10240x64xf32, #tpu.memory_space<vmem_shared>>
        tpu.wait_indirect_dma semaphore(%run_scoped3A : memref<!tpu.dma_semaphore, #tpu.memory_space<semaphore_mem>>) src(%arg9 : memref<128x64xf32, #tpu.memory_space<vmem>>) dst(%dma_wait3A_41 : memref<10240x64xf32, #tpu.memory_space<vmem_shared>>)
        tpu.yield
      }) : () -> ()
    }
    %scan3A_13 = arith.constant 80 : i32
    %barrier3A_14 = arith.constant 0 : index
    tpu.barrier barrier_id(%barrier3A_14)
    %mul3A_15 = arith.constant 640 : i32
    %mul3A_16 = arith.muli %arg1, %mul3A_15 : i32
    %mul3A_17 = arith.constant 640 : i32
    %mul3A_18 = arith.muli %arg1, %mul3A_17 : i32
    "tpu.region"() ({
      %run_scoped3A = tpu.sem_alloc : memref<!tpu.dma_semaphore, #tpu.memory_space<semaphore_mem>>
      %dma_start3A = arith.constant 0 : i32
      %dma_start3A_19 = tpu.memref_slice %arg6[%arg0, %mul3A_18, %dma_start3A] : memref<2x10240x64xf32, #tpu.memory_space<hbm>> -> memref<1x640x64xf32, #tpu.memory_space<hbm>>
      %dma_start3A_20 = tpu.memref_squeeze %dma_start3A_19 : memref<1x640x64xf32, #tpu.memory_space<hbm>> -> memref<640x64xf32, #tpu.memory_space<hbm>>
      %dma_start3A_21 = arith.constant 0 : i32
      %dma_start3A_22 = tpu.memref_slice %arg10[%mul3A_16, %dma_start3A_21] : memref<10240x64xf32, #tpu.memory_space<vmem_shared>> -> memref<640x64xf32, #tpu.memory_space<vmem_shared>>
      tpu.enqueue_dma source(%dma_start3A_22 : memref<640x64xf32, #tpu.memory_space<vmem_shared>>) target(%dma_start3A_20 : memref<640x64xf32, #tpu.memory_space<hbm>>) target_semaphore(%run_scoped3A : memref<!tpu.dma_semaphore, #tpu.memory_space<semaphore_mem>>)
      %dma_wait3A = arith.constant 0 : i32
      %dma_wait3A_23 = tpu.memref_slice %arg6[%arg0, %mul3A_18, %dma_wait3A] : memref<2x10240x64xf32, #tpu.memory_space<hbm>> -> memref<1x640x64xf32, #tpu.memory_space<hbm>>
      %dma_wait3A_24 = tpu.memref_squeeze %dma_wait3A_23 : memref<1x640x64xf32, #tpu.memory_space<hbm>> -> memref<640x64xf32, #tpu.memory_space<hbm>>
      %dma_wait3A_25 = arith.constant 0 : i32
      %dma_wait3A_26 = tpu.memref_slice %arg10[%mul3A_16, %dma_wait3A_25] : memref<10240x64xf32, #tpu.memory_space<vmem_shared>> -> memref<640x64xf32, #tpu.memory_space<vmem_shared>>
      tpu.wait_dma2 semaphore(%run_scoped3A : memref<!tpu.dma_semaphore, #tpu.memory_space<semaphore_mem>>) src(%dma_wait3A_26 : memref<640x64xf32, #tpu.memory_space<vmem_shared>>) dst(%dma_wait3A_24 : memref<640x64xf32, #tpu.memory_space<hbm>>)
      tpu.yield
    }) : () -> ()
    return
  }
}

#map = affine_map<(d0, d1) -> (0, 0)>
#map1 = affine_map<(d0, d1) -> (0, 0, 0)>
module attributes {stable_mosaic.version = 14 : i64} {
  func.func @_sc_scatter(%arg0: i32, %arg1: i32, %arg2: memref<10240x64xf32, #tpu.memory_space<hbm>>, %arg3: memref<2560x128xi32, #tpu.memory_space<hbm>>, %arg4: memref<2560x128xi32, #tpu.memory_space<hbm>>, %arg5: memref<10240x64xf32, #tpu.memory_space<hbm>>, %arg6: memref<2x10240x64xf32, #tpu.memory_space<hbm>>, %arg7: memref<80x128xi32, #tpu.memory_space<vmem>>, %arg8: memref<80x128xi32, #tpu.memory_space<vmem>>, %arg9: memref<128x64xf32, #tpu.memory_space<vmem>>, %arg10: memref<10240x64xf32, #tpu.memory_space<vmem_shared>>, %arg11: memref<!tpu.dma_semaphore, #tpu.memory_space<semaphore_mem>>) attributes {dimension_semantics = [#tpu.dimension_semantics<core_parallel>, #tpu.dimension_semantics<subcore_parallel>], iteration_bounds = array<i64: 2, 16>, scalar_prefetch = 0 : i64, scratch_operands = 5 : i64, tpu.core_type = #tpu.core_type<sc_vector_subcore>, window_params = [{transform_indices = #map}, {transform_indices = #map}, {transform_indices = #map}, {transform_indices = #map}, {transform_indices = #map1}]} {
    %mul3A = arith.constant 2 : i32
    %mul3A_0 = arith.muli %arg1, %mul3A : i32
    %add3A = arith.addi %mul3A_0, %arg0 : i32
    %mul3A_1 = arith.constant 640 : i32
    %mul3A_2 = arith.muli %arg1, %mul3A_1 : i32
    %mul3A_3 = arith.constant 640 : i32
    %mul3A_4 = arith.muli %arg1, %mul3A_3 : i32
    "tpu.region"() ({
      %run_scoped3A = tpu.sem_alloc : memref<!tpu.dma_semaphore, #tpu.memory_space<semaphore_mem>>
      %dma_start3A = arith.constant 0 : i32
      %dma_start3A_19 = tpu.memref_slice %arg10[%mul3A_4, %dma_start3A] : memref<10240x64xf32, #tpu.memory_space<vmem_shared>> -> memref<640x64xf32, #tpu.memory_space<vmem_shared>>
      %dma_start3A_20 = arith.constant 0 : i32
      %dma_start3A_21 = tpu.memref_slice %arg5[%mul3A_2, %dma_start3A_20] : memref<10240x64xf32, #tpu.memory_space<hbm>> -> memref<640x64xf32, #tpu.memory_space<hbm>>
      tpu.enqueue_dma source(%dma_start3A_21 : memref<640x64xf32, #tpu.memory_space<hbm>>) target(%dma_start3A_19 : memref<640x64xf32, #tpu.memory_space<vmem_shared>>) target_semaphore(%run_scoped3A : memref<!tpu.dma_semaphore, #tpu.memory_space<semaphore_mem>>)
      %dma_wait3A = arith.constant 0 : i32
      %dma_wait3A_22 = tpu.memref_slice %arg10[%mul3A_4, %dma_wait3A] : memref<10240x64xf32, #tpu.memory_space<vmem_shared>> -> memref<640x64xf32, #tpu.memory_space<vmem_shared>>
      %dma_wait3A_23 = arith.constant 0 : i32
      %dma_wait3A_24 = tpu.memref_slice %arg5[%mul3A_2, %dma_wait3A_23] : memref<10240x64xf32, #tpu.memory_space<hbm>> -> memref<640x64xf32, #tpu.memory_space<hbm>>
      tpu.wait_dma2 semaphore(%run_scoped3A : memref<!tpu.dma_semaphore, #tpu.memory_space<semaphore_mem>>) src(%dma_wait3A_24 : memref<640x64xf32, #tpu.memory_space<hbm>>) dst(%dma_wait3A_22 : memref<640x64xf32, #tpu.memory_space<vmem_shared>>)
      tpu.yield
    }) : () -> ()
    %mul3A_5 = arith.constant 80 : i32
    %mul3A_6 = arith.muli %add3A, %mul3A_5 : i32
    "tpu.region"() ({
      %run_scoped3A = tpu.sem_alloc : memref<!tpu.dma_semaphore, #tpu.memory_space<semaphore_mem>>
      %dma_start3A = arith.constant 0 : i32
      %dma_start3A_19 = tpu.memref_slice %arg3[%mul3A_6, %dma_start3A] : memref<2560x128xi32, #tpu.memory_space<hbm>> -> memref<80x128xi32, #tpu.memory_space<hbm>>
      %dma_start3A_20 = arith.constant 0 : i32
      %dma_start3A_21 = tpu.memref_slice %arg3[%mul3A_6, %dma_start3A_20] : memref<2560x128xi32, #tpu.memory_space<hbm>> -> memref<80x128xi32, #tpu.memory_space<hbm>>
      tpu.enqueue_dma source(%dma_start3A_21 : memref<80x128xi32, #tpu.memory_space<hbm>>) target(%arg7 : memref<80x128xi32, #tpu.memory_space<vmem>>) target_semaphore(%run_scoped3A : memref<!tpu.dma_semaphore, #tpu.memory_space<semaphore_mem>>)
      %dma_wait3A = arith.constant 0 : i32
      %dma_wait3A_22 = tpu.memref_slice %arg3[%mul3A_6, %dma_wait3A] : memref<2560x128xi32, #tpu.memory_space<hbm>> -> memref<80x128xi32, #tpu.memory_space<hbm>>
      %dma_wait3A_23 = arith.constant 0 : i32
      %dma_wait3A_24 = tpu.memref_slice %arg3[%mul3A_6, %dma_wait3A_23] : memref<2560x128xi32, #tpu.memory_space<hbm>> -> memref<80x128xi32, #tpu.memory_space<hbm>>
      tpu.wait_dma2 semaphore(%run_scoped3A : memref<!tpu.dma_semaphore, #tpu.memory_space<semaphore_mem>>) src(%dma_wait3A_24 : memref<80x128xi32, #tpu.memory_space<hbm>>) dst(%arg7 : memref<80x128xi32, #tpu.memory_space<vmem>>)
      tpu.yield
    }) : () -> ()
    %mul3A_7 = arith.constant 80 : i32
    %mul3A_8 = arith.muli %add3A, %mul3A_7 : i32
    "tpu.region"() ({
      %run_scoped3A = tpu.sem_alloc : memref<!tpu.dma_semaphore, #tpu.memory_space<semaphore_mem>>
      %dma_start3A = arith.constant 0 : i32
      %dma_start3A_19 = tpu.memref_slice %arg4[%mul3A_8, %dma_start3A] : memref<2560x128xi32, #tpu.memory_space<hbm>> -> memref<80x128xi32, #tpu.memory_space<hbm>>
      %dma_start3A_20 = arith.constant 0 : i32
      %dma_start3A_21 = tpu.memref_slice %arg4[%mul3A_8, %dma_start3A_20] : memref<2560x128xi32, #tpu.memory_space<hbm>> -> memref<80x128xi32, #tpu.memory_space<hbm>>
      tpu.enqueue_dma source(%dma_start3A_21 : memref<80x128xi32, #tpu.memory_space<hbm>>) target(%arg8 : memref<80x128xi32, #tpu.memory_space<vmem>>) target_semaphore(%run_scoped3A : memref<!tpu.dma_semaphore, #tpu.memory_space<semaphore_mem>>)
      %dma_wait3A = arith.constant 0 : i32
      %dma_wait3A_22 = tpu.memref_slice %arg4[%mul3A_8, %dma_wait3A] : memref<2560x128xi32, #tpu.memory_space<hbm>> -> memref<80x128xi32, #tpu.memory_space<hbm>>
      %dma_wait3A_23 = arith.constant 0 : i32
      %dma_wait3A_24 = tpu.memref_slice %arg4[%mul3A_8, %dma_wait3A_23] : memref<2560x128xi32, #tpu.memory_space<hbm>> -> memref<80x128xi32, #tpu.memory_space<hbm>>
      tpu.wait_dma2 semaphore(%run_scoped3A : memref<!tpu.dma_semaphore, #tpu.memory_space<semaphore_mem>>) src(%dma_wait3A_24 : memref<80x128xi32, #tpu.memory_space<hbm>>) dst(%arg8 : memref<80x128xi32, #tpu.memory_space<vmem>>)
      tpu.yield
    }) : () -> ()
    %barrier3A = arith.constant 0 : index
    tpu.barrier barrier_id(%barrier3A)
    %scan3A = arith.constant 0 : i32
    %scan3A_9 = arith.constant 0 : i32
    %scan3A_10 = arith.constant 80 : i32
    %scan3A_11 = arith.addi %scan3A_9, %scan3A_10 : i32
    %scan3A_12 = arith.constant 1 : i32
    scf.for %scan3A_19 = %scan3A_9 to %scan3A_11 step %scan3A_12  : i32 {
      %dma_start3A = arith.constant 0 : i32
      %dma_start3A_20 = tpu.memref_slice %arg7[%scan3A_19, %dma_start3A] : memref<80x128xi32, #tpu.memory_space<vmem>> -> memref<1x128xi32, #tpu.memory_space<vmem>>
      %dma_start3A_21 = tpu.memref_squeeze %dma_start3A_20 : memref<1x128xi32, #tpu.memory_space<vmem>> -> memref<128xi32, #tpu.memory_space<vmem>>
      %dma_start3A_22 = arith.constant 0 : i32
      %dma_start3A_23 = arith.constant 0 : i32
      %dma_start3A_24 = tpu.memref_slice %arg2[%dma_start3A_22, %dma_start3A_23] : memref<10240x64xf32, #tpu.memory_space<hbm>> -> memref<10240x64xf32, #tpu.memory_space<hbm>>
      tpu.enqueue_indirect_dma source(%dma_start3A_24 : memref<10240x64xf32, #tpu.memory_space<hbm>>) target(%arg9 : memref<128x64xf32, #tpu.memory_space<vmem>>) offsets(%dma_start3A_21 : memref<128xi32, #tpu.memory_space<vmem>>) semaphore(%arg11 : memref<!tpu.dma_semaphore, #tpu.memory_space<semaphore_mem>>)
      %dma_wait3A = arith.constant 0 : i32
      %dma_wait3A_25 = tpu.memref_slice %arg7[%scan3A_19, %dma_wait3A] : memref<80x128xi32, #tpu.memory_space<vmem>> -> memref<1x128xi32, #tpu.memory_space<vmem>>
      %dma_wait3A_26 = tpu.memref_squeeze %dma_wait3A_25 : memref<1x128xi32, #tpu.memory_space<vmem>> -> memref<128xi32, #tpu.memory_space<vmem>>
      %dma_wait3A_27 = arith.constant 0 : i32
      %dma_wait3A_28 = arith.constant 0 : i32
      %dma_wait3A_29 = tpu.memref_slice %arg2[%dma_wait3A_27, %dma_wait3A_28] : memref<10240x64xf32, #tpu.memory_space<hbm>> -> memref<10240x64xf32, #tpu.memory_space<hbm>>
      tpu.wait_indirect_dma semaphore(%arg11 : memref<!tpu.dma_semaphore, #tpu.memory_space<semaphore_mem>>) src(%dma_wait3A_29 : memref<10240x64xf32, #tpu.memory_space<hbm>>) dst(%arg9 : memref<128x64xf32, #tpu.memory_space<vmem>>)
      "tpu.region"() ({
        %run_scoped3A = tpu.sem_alloc : memref<!tpu.dma_semaphore, #tpu.memory_space<semaphore_mem>>
        %dma_start3A_30 = arith.constant 0 : i32
        %dma_start3A_31 = tpu.memref_slice %arg8[%scan3A_19, %dma_start3A_30] : memref<80x128xi32, #tpu.memory_space<vmem>> -> memref<1x128xi32, #tpu.memory_space<vmem>>
        %dma_start3A_32 = tpu.memref_squeeze %dma_start3A_31 : memref<1x128xi32, #tpu.memory_space<vmem>> -> memref<128xi32, #tpu.memory_space<vmem>>
        %dma_start3A_33 = arith.constant 0 : i32
        %dma_start3A_34 = arith.constant 0 : i32
        %dma_start3A_35 = tpu.memref_slice %arg10[%dma_start3A_33, %dma_start3A_34] : memref<10240x64xf32, #tpu.memory_space<vmem_shared>> -> memref<10240x64xf32, #tpu.memory_space<vmem_shared>>
        tpu.enqueue_indirect_dma source(%arg9 : memref<128x64xf32, #tpu.memory_space<vmem>>) target(%dma_start3A_35 : memref<10240x64xf32, #tpu.memory_space<vmem_shared>>) offsets(%dma_start3A_32 : memref<128xi32, #tpu.memory_space<vmem>>) semaphore(%run_scoped3A : memref<!tpu.dma_semaphore, #tpu.memory_space<semaphore_mem>>) {add = true}
        %dma_wait3A_36 = arith.constant 0 : i32
        %dma_wait3A_37 = tpu.memref_slice %arg8[%scan3A_19, %dma_wait3A_36] : memref<80x128xi32, #tpu.memory_space<vmem>> -> memref<1x128xi32, #tpu.memory_space<vmem>>
        %dma_wait3A_38 = tpu.memref_squeeze %dma_wait3A_37 : memref<1x128xi32, #tpu.memory_space<vmem>> -> memref<128xi32, #tpu.memory_space<vmem>>
        %dma_wait3A_39 = arith.constant 0 : i32
        %dma_wait3A_40 = arith.constant 0 : i32
        %dma_wait3A_41 = tpu.memref_slice %arg10[%dma_wait3A_39, %dma_wait3A_40] : memref<10240x64xf32, #tpu.memory_space<vmem_shared>> -> memref<10240x64xf32, #tpu.memory_space<vmem_shared>>
        tpu.wait_indirect_dma semaphore(%run_scoped3A : memref<!tpu.dma_semaphore, #tpu.memory_space<semaphore_mem>>) src(%arg9 : memref<128x64xf32, #tpu.memory_space<vmem>>) dst(%dma_wait3A_41 : memref<10240x64xf32, #tpu.memory_space<vmem_shared>>)
        tpu.yield
      }) : () -> ()
    }
    %scan3A_13 = arith.constant 80 : i32
    %barrier3A_14 = arith.constant 0 : index
    tpu.barrier barrier_id(%barrier3A_14)
    %mul3A_15 = arith.constant 640 : i32
    %mul3A_16 = arith.muli %arg1, %mul3A_15 : i32
    %mul3A_17 = arith.constant 640 : i32
    %mul3A_18 = arith.muli %arg1, %mul3A_17 : i32
    "tpu.region"() ({
      %run_scoped3A = tpu.sem_alloc : memref<!tpu.dma_semaphore, #tpu.memory_space<semaphore_mem>>
      %dma_start3A = arith.constant 0 : i32
      %dma_start3A_19 = tpu.memref_slice %arg6[%arg0, %mul3A_18, %dma_start3A] : memref<2x10240x64xf32, #tpu.memory_space<hbm>> -> memref<1x640x64xf32, #tpu.memory_space<hbm>>
      %dma_start3A_20 = tpu.memref_squeeze %dma_start3A_19 : memref<1x640x64xf32, #tpu.memory_space<hbm>> -> memref<640x64xf32, #tpu.memory_space<hbm>>
      %dma_start3A_21 = arith.constant 0 : i32
      %dma_start3A_22 = tpu.memref_slice %arg10[%mul3A_16, %dma_start3A_21] : memref<10240x64xf32, #tpu.memory_space<vmem_shared>> -> memref<640x64xf32, #tpu.memory_space<vmem_shared>>
      tpu.enqueue_dma source(%dma_start3A_22 : memref<640x64xf32, #tpu.memory_space<vmem_shared>>) target(%dma_start3A_20 : memref<640x64xf32, #tpu.memory_space<hbm>>) target_semaphore(%run_scoped3A : memref<!tpu.dma_semaphore, #tpu.memory_space<semaphore_mem>>)
      %dma_wait3A = arith.constant 0 : i32
      %dma_wait3A_23 = tpu.memref_slice %arg6[%arg0, %mul3A_18, %dma_wait3A] : memref<2x10240x64xf32, #tpu.memory_space<hbm>> -> memref<1x640x64xf32, #tpu.memory_space<hbm>>
      %dma_wait3A_24 = tpu.memref_squeeze %dma_wait3A_23 : memref<1x640x64xf32, #tpu.memory_space<hbm>> -> memref<640x64xf32, #tpu.memory_space<hbm>>
      %dma_wait3A_25 = arith.constant 0 : i32
      %dma_wait3A_26 = tpu.memref_slice %arg10[%mul3A_16, %dma_wait3A_25] : memref<10240x64xf32, #tpu.memory_space<vmem_shared>> -> memref<640x64xf32, #tpu.memory_space<vmem_shared>>
      tpu.wait_dma2 semaphore(%run_scoped3A : memref<!tpu.dma_semaphore, #tpu.memory_space<semaphore_mem>>) src(%dma_wait3A_26 : memref<640x64xf32, #tpu.memory_space<vmem_shared>>) dst(%dma_wait3A_24 : memref<640x64xf32, #tpu.memory_space<hbm>>)
      tpu.yield
    }) : () -> ()
    return
  }
}

module attributes {stable_mosaic.version = 14 : i64} {
  func.func @_dinv_body(%arg0: memref<80x128xf32, #tpu.memory_space<vmem>>, %arg1: memref<80x128xf32, #tpu.memory_space<vmem>>, %arg2: memref<80x128xf32, #tpu.memory_space<vmem>>) attributes {dimension_semantics = [], scalar_prefetch = 0 : i64, scratch_operands = 0 : i64, tpu.core_type = #tpu.core_type<tc>} {
    %get3A = arith.constant 0 : index
    %get3A_0 = arith.constant 0 : index
    %get3A_1 = vector.load %arg0[%get3A, %get3A_0] : memref<80x128xf32, #tpu.memory_space<vmem>>, vector<80x128xf32>
    %get3A_2 = arith.constant 0 : index
    %get3A_3 = arith.constant 0 : index
    %get3A_4 = vector.load %arg1[%get3A_2, %get3A_3] : memref<80x128xf32, #tpu.memory_space<vmem>>, vector<80x128xf32>
    %add3A = arith.addf %get3A_1, %get3A_4 : vector<80x128xf32>
    %add3A_5 = arith.constant 1.000000e+00 : f32
    %add3A_6 = vector.broadcast %add3A_5 : f32 to vector<80x128xf32>
    %add3A_7 = arith.addf %add3A, %add3A_6 : vector<80x128xf32>
    %rsqrt3A = math.rsqrt %add3A_7 : vector<80x128xf32>
    %swap3A = arith.constant 0 : index
    %swap3A_8 = arith.constant 0 : index
    %swap3A_9 = vector.load %arg2[%swap3A, %swap3A_8] : memref<80x128xf32, #tpu.memory_space<vmem>>, vector<80x128xf32>
    tpu.vector_store %arg2[%swap3A, %swap3A_8], %rsqrt3A {strides = array<i32>} : memref<80x128xf32, #tpu.memory_space<vmem>>, vector<80x128xf32>,
    return
  }
}

module attributes {stable_mosaic.version = 14 : i64} {
  func.func @_m1_body(%arg0: i32, %arg1: memref<1280x128xf32, #tpu.memory_space<vmem>>, %arg2: memref<128x64xf32, #tpu.memory_space<vmem>>, %arg3: memref<1280x1xf32, #tpu.memory_space<vmem>>, %arg4: memref<1280x64xf32, #tpu.memory_space<vmem>>) attributes {dimension_semantics = [#tpu.dimension_semantics<arbitrary>], iteration_bounds = array<i64: 8>, scalar_prefetch = 0 : i64, scratch_operands = 0 : i64, tpu.core_type = #tpu.core_type<tc>, window_params = [{transform_indices = @transform_0, window_bounds = array<i64: 1280, 128>}, {pipeline_mode = #tpu.pipeline_mode<synchronous>, transform_indices = @transform_1, window_bounds = array<i64: 128, 64>}, {transform_indices = @transform_2, window_bounds = array<i64: 1280, 1>}, {transform_indices = @transform_3, window_bounds = array<i64: 1280, 64>}]} {
    %get3A = arith.constant 0 : index
    %get3A_0 = arith.constant 0 : index
    %get3A_1 = vector.load %arg1[%get3A, %get3A_0] : memref<1280x128xf32, #tpu.memory_space<vmem>>, vector<1280x128xf32>
    %get3A_2 = arith.constant 0 : index
    %get3A_3 = arith.constant 0 : index
    %get3A_4 = vector.load %arg2[%get3A_2, %get3A_3] : memref<128x64xf32, #tpu.memory_space<vmem>>, vector<128x64xf32>
    %dot_general3A = arith.constant dense<0.000000e+00> : vector<1280x64xf32>
    %dot_general3A_5 = tpu.matmul %get3A_1, %get3A_4, %dot_general3A {dimension_numbers = #tpu.dot_dimension_numbers<[1], [0], [0], [1], [0, 0, 1, 1], [], []>, transpose_lhs_hint = false} : vector<1280x128xf32>, vector<128x64xf32>, vector<1280x64xf32> -> vector<1280x64xf32>
    %get3A_6 = arith.constant 0 : index
    %get3A_7 = arith.constant 0 : index
    %get3A_8 = vector.load %arg3[%get3A_6, %get3A_7] : memref<1280x1xf32, #tpu.memory_space<vmem>>, vector<1280x1xf32>
    %mul3A = vector.broadcast %get3A_8 : vector<1280x1xf32> to vector<1280x64xf32>
    %mul3A_9 = arith.mulf %dot_general3A_5, %mul3A : vector<1280x64xf32>
    %swap3A = arith.constant 0 : index
    %swap3A_10 = arith.constant 0 : index
    %swap3A_11 = vector.load %arg4[%swap3A, %swap3A_10] : memref<1280x64xf32, #tpu.memory_space<vmem>>, vector<1280x64xf32>
    tpu.vector_store %arg4[%swap3A, %swap3A_10], %mul3A_9 {strides = array<i32>} : memref<1280x64xf32, #tpu.memory_space<vmem>>, vector<1280x64xf32>,
    return
  }
  func.func @transform_0(%arg0: i32) -> (i32, i32) {
    %c0_i32 = arith.constant 0 : i32
    %c0_i32_0 = arith.constant 0 : i32
    return %arg0, %c0_i32 : i32, i32
  }
  func.func @transform_1(%arg0: i32) -> (i32, i32) {
    %c0_i32 = arith.constant 0 : i32
    %c0_i32_0 = arith.constant 0 : i32
    %c0_i32_1 = arith.constant 0 : i32
    return %c0_i32, %c0_i32_0 : i32, i32
  }
  func.func @transform_2(%arg0: i32) -> (i32, i32) {
    %c0_i32 = arith.constant 0 : i32
    %c0_i32_0 = arith.constant 0 : i32
    return %arg0, %c0_i32 : i32, i32
  }
  func.func @transform_3(%arg0: i32) -> (i32, i32) {
    %c0_i32 = arith.constant 0 : i32
    %c0_i32_0 = arith.constant 0 : i32
    return %arg0, %c0_i32 : i32, i32
  }
}

module attributes {stable_mosaic.version = 14 : i64} {
  func.func @_layer_body(%arg0: i32, %arg1: memref<2x1280x64xf32, #tpu.memory_space<vmem>>, %arg2: memref<1280x64xf32, #tpu.memory_space<vmem>>, %arg3: memref<1280x1xf32, #tpu.memory_space<vmem>>, %arg4: memref<1x64xf32, #tpu.memory_space<vmem>>, %arg5: memref<64x64xf32, #tpu.memory_space<vmem>>, %arg6: memref<1280x64xf32, #tpu.memory_space<vmem>>, %arg7: memref<1280x64xf32, #tpu.memory_space<vmem>>) attributes {dimension_semantics = [#tpu.dimension_semantics<arbitrary>], iteration_bounds = array<i64: 8>, scalar_prefetch = 0 : i64, scratch_operands = 0 : i64, tpu.core_type = #tpu.core_type<tc>, window_params = [{transform_indices = @transform_0, window_bounds = array<i64: 2, 1280, 64>}, {transform_indices = @transform_1, window_bounds = array<i64: 1280, 64>}, {transform_indices = @transform_2, window_bounds = array<i64: 1280, 1>}, {pipeline_mode = #tpu.pipeline_mode<synchronous>, transform_indices = @transform_3, window_bounds = array<i64: 1, 64>}, {pipeline_mode = #tpu.pipeline_mode<synchronous>, transform_indices = @transform_4, window_bounds = array<i64: 64, 64>}, {transform_indices = @transform_5, window_bounds = array<i64: 1280, 64>}, {transform_indices = @transform_6, window_bounds = array<i64: 1280, 64>}]} {
    %get3A = arith.constant 0 : index
    %get3A_0 = arith.constant 0 : index
    %get3A_1 = arith.constant 0 : index
    %get3A_2 = vector.load %arg1[%get3A, %get3A_0, %get3A_1] : memref<2x1280x64xf32, #tpu.memory_space<vmem>>, vector<1x1280x64xf32>
    %get3A_3 = vector.shape_cast %get3A_2 : vector<1x1280x64xf32> to vector<1280x64xf32>
    %get3A_4 = arith.constant 1 : index
    %get3A_5 = arith.constant 0 : index
    %get3A_6 = arith.constant 0 : index
    %get3A_7 = vector.load %arg1[%get3A_4, %get3A_5, %get3A_6] : memref<2x1280x64xf32, #tpu.memory_space<vmem>>, vector<1x1280x64xf32>
    %get3A_8 = vector.shape_cast %get3A_7 : vector<1x1280x64xf32> to vector<1280x64xf32>
    %add3A = arith.addf %get3A_3, %get3A_8 : vector<1280x64xf32>
    %get3A_9 = arith.constant 0 : index
    %get3A_10 = arith.constant 0 : index
    %get3A_11 = vector.load %arg2[%get3A_9, %get3A_10] : memref<1280x64xf32, #tpu.memory_space<vmem>>, vector<1280x64xf32>
    %add3A_12 = arith.addf %add3A, %get3A_11 : vector<1280x64xf32>
    %get3A_13 = arith.constant 0 : index
    %get3A_14 = arith.constant 0 : index
    %get3A_15 = vector.load %arg3[%get3A_13, %get3A_14] : memref<1280x1xf32, #tpu.memory_space<vmem>>, vector<1280x1xf32>
    %mul3A = vector.broadcast %get3A_15 : vector<1280x1xf32> to vector<1280x64xf32>
    %mul3A_16 = arith.mulf %add3A_12, %mul3A : vector<1280x64xf32>
    %get3A_17 = arith.constant 0 : index
    %get3A_18 = arith.constant 0 : index
    %get3A_19 = vector.load %arg4[%get3A_17, %get3A_18] : memref<1x64xf32, #tpu.memory_space<vmem>>, vector<1x64xf32>
    %add3A_20 = vector.broadcast %get3A_19 : vector<1x64xf32> to vector<1280x64xf32>
    %add3A_21 = arith.addf %mul3A_16, %add3A_20 : vector<1280x64xf32>
    %tanh3A = math.tanh %add3A_21 : vector<1280x64xf32>
    %swap3A = arith.constant 0 : index
    %swap3A_22 = arith.constant 0 : index
    %swap3A_23 = vector.load %arg6[%swap3A, %swap3A_22] : memref<1280x64xf32, #tpu.memory_space<vmem>>, vector<1280x64xf32>
    tpu.vector_store %arg6[%swap3A, %swap3A_22], %tanh3A {strides = array<i32>} : memref<1280x64xf32, #tpu.memory_space<vmem>>, vector<1280x64xf32>,
    %get3A_24 = arith.constant 0 : index
    %get3A_25 = arith.constant 0 : index
    %get3A_26 = vector.load %arg5[%get3A_24, %get3A_25] : memref<64x64xf32, #tpu.memory_space<vmem>>, vector<64x64xf32>
    %dot_general3A = arith.constant dense<0.000000e+00> : vector<1280x64xf32>
    %dot_general3A_27 = tpu.matmul %tanh3A, %get3A_26, %dot_general3A {dimension_numbers = #tpu.dot_dimension_numbers<[1], [0], [0], [1], [0, 0, 1, 1], [], []>, transpose_lhs_hint = false} : vector<1280x64xf32>, vector<64x64xf32>, vector<1280x64xf32> -> vector<1280x64xf32>
    %get3A_28 = arith.constant 0 : index
    %get3A_29 = arith.constant 0 : index
    %get3A_30 = vector.load %arg3[%get3A_28, %get3A_29] : memref<1280x1xf32, #tpu.memory_space<vmem>>, vector<1280x1xf32>
    %mul3A_31 = vector.broadcast %get3A_30 : vector<1280x1xf32> to vector<1280x64xf32>
    %mul3A_32 = arith.mulf %dot_general3A_27, %mul3A_31 : vector<1280x64xf32>
    %swap3A_33 = arith.constant 0 : index
    %swap3A_34 = arith.constant 0 : index
    %swap3A_35 = vector.load %arg7[%swap3A_33, %swap3A_34] : memref<1280x64xf32, #tpu.memory_space<vmem>>, vector<1280x64xf32>
    tpu.vector_store %arg7[%swap3A_33, %swap3A_34], %mul3A_32 {strides = array<i32>} : memref<1280x64xf32, #tpu.memory_space<vmem>>, vector<1280x64xf32>,
    return
  }
  func.func @transform_0(%arg0: i32) -> (i32, i32, i32) {
    %c0_i32 = arith.constant 0 : i32
    %c0_i32_0 = arith.constant 0 : i32
    %c0_i32_1 = arith.constant 0 : i32
    return %c0_i32, %arg0, %c0_i32_0 : i32, i32, i32
  }
  func.func @transform_1(%arg0: i32) -> (i32, i32) {
    %c0_i32 = arith.constant 0 : i32
    %c0_i32_0 = arith.constant 0 : i32
    return %arg0, %c0_i32 : i32, i32
  }
  func.func @transform_2(%arg0: i32) -> (i32, i32) {
    %c0_i32 = arith.constant 0 : i32
    %c0_i32_0 = arith.constant 0 : i32
    return %arg0, %c0_i32 : i32, i32
  }
  func.func @transform_3(%arg0: i32) -> (i32, i32) {
    %c0_i32 = arith.constant 0 : i32
    %c0_i32_0 = arith.constant 0 : i32
    %c0_i32_1 = arith.constant 0 : i32
    return %c0_i32, %c0_i32_0 : i32, i32
  }
  func.func @transform_4(%arg0: i32) -> (i32, i32) {
    %c0_i32 = arith.constant 0 : i32
    %c0_i32_0 = arith.constant 0 : i32
    %c0_i32_1 = arith.constant 0 : i32
    return %c0_i32, %c0_i32_0 : i32, i32
  }
  func.func @transform_5(%arg0: i32) -> (i32, i32) {
    %c0_i32 = arith.constant 0 : i32
    %c0_i32_0 = arith.constant 0 : i32
    return %arg0, %c0_i32 : i32, i32
  }
  func.func @transform_6(%arg0: i32) -> (i32, i32) {
    %c0_i32 = arith.constant 0 : i32
    %c0_i32_0 = arith.constant 0 : i32
    return %arg0, %c0_i32 : i32, i32
  }
}

module attributes {stable_mosaic.version = 14 : i64} {
  func.func @_final_body(%arg0: i32, %arg1: memref<2x1280x64xf32, #tpu.memory_space<vmem>>, %arg2: memref<1280x64xf32, #tpu.memory_space<vmem>>, %arg3: memref<1280x1xf32, #tpu.memory_space<vmem>>, %arg4: memref<1x64xf32, #tpu.memory_space<vmem>>, %arg5: memref<1280x64xf32, #tpu.memory_space<vmem>>) attributes {dimension_semantics = [#tpu.dimension_semantics<arbitrary>], iteration_bounds = array<i64: 8>, scalar_prefetch = 0 : i64, scratch_operands = 0 : i64, tpu.core_type = #tpu.core_type<tc>, window_params = [{transform_indices = @transform_0, window_bounds = array<i64: 2, 1280, 64>}, {transform_indices = @transform_1, window_bounds = array<i64: 1280, 64>}, {transform_indices = @transform_2, window_bounds = array<i64: 1280, 1>}, {pipeline_mode = #tpu.pipeline_mode<synchronous>, transform_indices = @transform_3, window_bounds = array<i64: 1, 64>}, {transform_indices = @transform_4, window_bounds = array<i64: 1280, 64>}]} {
    %get3A = arith.constant 0 : index
    %get3A_0 = arith.constant 0 : index
    %get3A_1 = arith.constant 0 : index
    %get3A_2 = vector.load %arg1[%get3A, %get3A_0, %get3A_1] : memref<2x1280x64xf32, #tpu.memory_space<vmem>>, vector<1x1280x64xf32>
    %get3A_3 = vector.shape_cast %get3A_2 : vector<1x1280x64xf32> to vector<1280x64xf32>
    %get3A_4 = arith.constant 1 : index
    %get3A_5 = arith.constant 0 : index
    %get3A_6 = arith.constant 0 : index
    %get3A_7 = vector.load %arg1[%get3A_4, %get3A_5, %get3A_6] : memref<2x1280x64xf32, #tpu.memory_space<vmem>>, vector<1x1280x64xf32>
    %get3A_8 = vector.shape_cast %get3A_7 : vector<1x1280x64xf32> to vector<1280x64xf32>
    %add3A = arith.addf %get3A_3, %get3A_8 : vector<1280x64xf32>
    %get3A_9 = arith.constant 0 : index
    %get3A_10 = arith.constant 0 : index
    %get3A_11 = vector.load %arg2[%get3A_9, %get3A_10] : memref<1280x64xf32, #tpu.memory_space<vmem>>, vector<1280x64xf32>
    %add3A_12 = arith.addf %add3A, %get3A_11 : vector<1280x64xf32>
    %get3A_13 = arith.constant 0 : index
    %get3A_14 = arith.constant 0 : index
    %get3A_15 = vector.load %arg3[%get3A_13, %get3A_14] : memref<1280x1xf32, #tpu.memory_space<vmem>>, vector<1280x1xf32>
    %mul3A = vector.broadcast %get3A_15 : vector<1280x1xf32> to vector<1280x64xf32>
    %mul3A_16 = arith.mulf %add3A_12, %mul3A : vector<1280x64xf32>
    %get3A_17 = arith.constant 0 : index
    %get3A_18 = arith.constant 0 : index
    %get3A_19 = vector.load %arg4[%get3A_17, %get3A_18] : memref<1x64xf32, #tpu.memory_space<vmem>>, vector<1x64xf32>
    %add3A_20 = vector.broadcast %get3A_19 : vector<1x64xf32> to vector<1280x64xf32>
    %add3A_21 = arith.addf %mul3A_16, %add3A_20 : vector<1280x64xf32>
    %tanh3A = math.tanh %add3A_21 : vector<1280x64xf32>
    %swap3A = arith.constant 0 : index
    %swap3A_22 = arith.constant 0 : index
    %swap3A_23 = vector.load %arg5[%swap3A, %swap3A_22] : memref<1280x64xf32, #tpu.memory_space<vmem>>, vector<1280x64xf32>
    tpu.vector_store %arg5[%swap3A, %swap3A_22], %tanh3A {strides = array<i32>} : memref<1280x64xf32, #tpu.memory_space<vmem>>, vector<1280x64xf32>,
    return
  }
  func.func @transform_0(%arg0: i32) -> (i32, i32, i32) {
    %c0_i32 = arith.constant 0 : i32
    %c0_i32_0 = arith.constant 0 : i32
    %c0_i32_1 = arith.constant 0 : i32
    return %c0_i32, %arg0, %c0_i32_0 : i32, i32, i32
  }
  func.func @transform_1(%arg0: i32) -> (i32, i32) {
    %c0_i32 = arith.constant 0 : i32
    %c0_i32_0 = arith.constant 0 : i32
    return %arg0, %c0_i32 : i32, i32
  }
  func.func @transform_2(%arg0: i32) -> (i32, i32) {
    %c0_i32 = arith.constant 0 : i32
    %c0_i32_0 = arith.constant 0 : i32
    return %arg0, %c0_i32 : i32, i32
  }
  func.func @transform_3(%arg0: i32) -> (i32, i32) {
    %c0_i32 = arith.constant 0 : i32
    %c0_i32_0 = arith.constant 0 : i32
    %c0_i32_1 = arith.constant 0 : i32
    return %c0_i32, %c0_i32_0 : i32, i32
  }
  func.func @transform_4(%arg0: i32) -> (i32, i32) {
    %c0_i32 = arith.constant 0 : i32
    %c0_i32_0 = arith.constant 0 : i32
    return %arg0, %c0_i32 : i32, i32
  }
}

</mosaic_0001>

<sc_bundles>
// kernel: kernel.11.cloned.1.call-start
scs
__scs_entry_jumppad:
0x0: {  	(pc) =	sbr.rel $0x88, $3  }
0x1: {  	(tag) =	ssettag $0x0;
	lr =	simm.s32 $0x1  }
0x2: {  	[smem:$0x3F92] =	sst lr;
	_ =	strace $0xD0000000  }
0x3: {  	_ = 	snop  }
0x4: {  	_ = 	snop  }
0x5: {  	_ = 	snop  }
0x6: {  	_ = 	snop  }
0x7: {  	_ = 	snop  }
__scs_overlays_trampoline_lowered:
0x8: {  	[smem:$0x3FA1] =	sst s0  }
0x9: {  	[smem:$0x3FA2] =	sst s1  }
0xa: {  	[smem:$0x3FA3] =	sst s2  }
0xb: {  	[smem:$0x3FA4] =	sst s3  }
0xc: {  	[smem:$0x3FA5] =	sst s4  }
0xd: {  	[smem:$0x3FA6] =	sst s5  }
0xe: {  	[smem:$0x3FA7] =	sst s6  }
0xf: {  	[smem:$0x3FA8] =	sst s7  }
0x10: {  	[smem:$0x3FA9] =	sst s8  }
0x11: {  	[smem:$0x3FAA] =	sst s9;
	s0 =	simm.s32 @!p0 $0x0  }
0x12: {  	s1 =	sld [smem:$0x3F90];
	s0 =	simm.s32 @p0 $0x1  }
0x13: {  	[smem:$0x3FAB] =	sst s0;
	s0 =	simm.s32 @!p1 $0x0  }
0x14: {  	s2 =	sld [smem:$0x3F8F];
	s0 =	simm.s32 @p1 $0x1  }
0x15: {  	[smem:$0x3FAC] =	sst s0;
	s0 =	simm.s32 @!p2 $0x0  }
0x16: {  	s3 =	sld [smem:$0x3FDB];
	s0 =	simm.s32 @p2 $0x1  }
0x17: {  	s4 =	simm.s32 $0x1BF5;
	[smem:$0x3FAE] =	sst s0  }
0x18: {  	s0 =	sld [smem:$0x3F91];
	_ =	swait.ge [sflag:s4], $0x0  }
0x19: {  	s7 =	sld [smem:$0x3F92]  }
0x1a: {  	s8 =	sadd.s32 $0xFFFFE003, lr  }
0x1b: {  	s9 =	sadd.s32 $0xFFFFFEF7, lr;
	s5 =	simm.s32 $0xFFFFFFFF;
	p2 =	slt.u32 s8, $0xFFFFF086  }
0x1c: {  	p1 =	slt.u32 s9, $0xF7A;
	s5 =	simm.s32 @!p2 $0x0  }
0x1d: {  	s5 =	simm.s32 @p1 $0x1;
	p0 =	seq.s32 s7, s2  }
0x1e: {  	s7 =	smul.u32 @!p0 $0xF7A, s2;
	p2 =	seq.s32 @!p0 s5, $0x0  }
0x1f: {  	s9 =	smul.u32 $0xF7A, s1;
	s8 =	simm.s32 @!p0 $0x1BF5;
	p2 =	por !p2, p0  }
0x20: {  	[sflag:s8] =	ssyncset.s32 @!p0 $0xFFFFF086;
	s6 =	sadd.s32 @!p0 s3, s7;
	s7 =	simm.s32 @!p0 $0x108  }
0x21: {  	s3 =	sadd.s32 s3, s9;
	s6 =	sadd.s32 @!p0 $0x88, s6;
	s7 =	simm.s32 @p2 $0x1082  }
0x22: {  	[simem:s7], [sflag:s8] =	dma.local @!p0 [hbm:s6], $0xF7A  }
0x23: {  	s9 =	sor.u32 $0xD0000000, s2;
	s6 =	simm.s32 $0x108;
	_ =	swait.ge @!p0 [sflag:s8], $0x0  }
0x24: {  	s3 =	sadd.s32 $0x88, s3;
	s6 =	simm.s32 @!p1 $0x1082;
	[sflag:s4] =	ssyncset.s32 $0xFFFFF086  }
0x25: {  	[simem:s6], [sflag:s4] =	dma.local [hbm:s3], $0xF7A  }
0x26: {  	[smem:$0x3F92] =	sst s1;
	(tag) =	ssettag s2;
	_ =	strace s9  }
0x27: {  	s1 =	sld [smem:$0x3FA2]  }
0x28: {  	s2 =	sld [smem:$0x3FA3]  }
0x29: {  	s4 =	sld [smem:$0x3FA5]  }
0x2a: {  	p0 =	seq.s32 s5, $0x0;
	s5 =	sld [smem:$0x3FA6]  }
0x2b: {  	s6 =	sld [smem:$0x3FA7]  }
0x2c: {  	s7 =	sld [smem:$0x3FA8]  }
0x2d: {  	s3 =	simm.s32 $0x108;
	s8 =	sld [smem:$0x3FA9]  }
0x2e: {  	s3 =	simm.s32 @!p0 $0x1082;
	s9 =	sld [smem:$0x3FAA]  }
0x2f: {  	lr =	sadd.s32 s0, s3;
	s0 =	sld [smem:$0x3FA1]  }
0x30: {  	s3 =	sld [smem:$0x3FA4]  }
0x31: {  	[smem:$0x3FAD] =	sst s10  }
0x32: {  	s10 =	sld [smem:$0x3FAB];
	_ =	sdelay $0x3  }
0x33: {  	p0 =	seq.s32 s10, $0x1;
	s10 =	sld [smem:$0x3FAD];
	_ =	sdelay $0x3  }
0x34: {  	[smem:$0x3FAD] =	sst s10  }
0x35: {  	s10 =	sld [smem:$0x3FAC];
	_ =	sdelay $0x3  }
0x36: {  	p1 =	seq.s32 s10, $0x1;
	s10 =	sld [smem:$0x3FAD];
	_ =	sdelay $0x3  }
0x37: {  	[smem:$0x3FAD] =	sst s10  }
0x38: {  	s10 =	sld [smem:$0x3FAE]  }
0x39: {  	_ = 	snop;
	(pc) =	sbr.ind lr, $3  }
0x3a: {  	_ = 	snop  }
0x3b: {  	_ = 	snop  }
0x3c: {  	p2 =	seq.s32 s10, $0x1;
	s10 =	sld [smem:$0x3FAD]  }
0x3d: {  	_ =	shalt  }
0x3e: {  	_ =	shalt  }
0x3f: {  	_ =	shalt  }
0x40: {  	_ =	shalt  }
0x41: {  	_ =	shalt  }
0x42: {  	_ =	shalt  }
0x43: {  	_ =	shalt  }
0x44: {  	_ =	shalt  }
0x45: {  	_ =	shalt  }
0x46: {  	_ =	shalt  }
0x47: {  	_ =	shalt  }
0x48: {  	_ =	shalt  }
0x49: {  	_ =	shalt  }
0x4a: {  	_ =	shalt  }
0x4b: {  	_ =	shalt  }
0x4c: {  	_ =	shalt  }
0x4d: {  	_ =	shalt  }
0x4e: {  	_ =	shalt  }
0x4f: {  	_ =	shalt  }
0x50: {  	_ =	shalt  }
0x51: {  	_ =	shalt  }
0x52: {  	_ =	shalt  }
0x53: {  	_ =	shalt  }
0x54: {  	_ =	shalt  }
0x55: {  	_ =	shalt  }
0x56: {  	_ =	shalt  }
0x57: {  	_ =	shalt  }
0x58: {  	_ =	shalt  }
0x59: {  	_ =	shalt  }
0x5a: {  	_ =	shalt  }
0x5b: {  	_ =	shalt  }
0x5c: {  	_ =	shalt  }
0x5d: {  	_ =	shalt  }
0x5e: {  	_ =	shalt  }
0x5f: {  	_ =	shalt  }
0x60: {  	_ =	shalt  }
0x61: {  	_ =	shalt  }
0x62: {  	_ =	shalt  }
0x63: {  	_ =	shalt  }
0x64: {  	_ =	shalt  }
0x65: {  	_ =	shalt  }
0x66: {  	_ =	shalt  }
0x67: {  	_ =	shalt  }
0x68: {  	_ =	shalt  }
0x69: {  	_ =	shalt  }
0x6a: {  	_ =	shalt  }
0x6b: {  	_ =	shalt  }
0x6c: {  	_ =	shalt  }
0x6d: {  	_ =	shalt  }
0x6e: {  	_ =	shalt  }
0x6f: {  	_ =	shalt  }
0x70: {  	_ =	shalt  }
0x71: {  	_ =	shalt  }
0x72: {  	_ =	shalt  }
0x73: {  	_ =	shalt  }
0x74: {  	_ =	shalt  }
0x75: {  	_ =	shalt  }
0x76: {  	_ =	shalt  }
0x77: {  	_ =	shalt  }
0x78: {  	_ =	shalt  }
0x79: {  	_ =	shalt  }
0x7a: {  	_ =	shalt  }
0x7b: {  	_ =	shalt  }
0x7c: {  	_ =	shalt  }
0x7d: {  	_ =	shalt  }
0x7e: {  	_ =	shalt  }
0x7f: {  	_ =	shalt  }
0x80: {  	_ =	shalt  }
0x81: {  	_ =	shalt  }
0x82: {  	_ =	shalt  }
0x83: {  	_ =	shalt  }
0x84: {  	_ =	shalt  }
0x85: {  	_ =	shalt  }
0x86: {  	_ =	shalt  }
0x87: {  	_ =	shalt  }
.Lfunc_end0:
.L_simem_size_0:
called_computation_lowered:
.L_overlay_start_0:
0x88: {  	s2 =	sld [smem:$0x3FD9]  }
0x89: {  	s3 =	sld [smem:$0x3FFE];
	_ =	sdelay $0x1  }
0x8a: {  	s1 =	srdreg.scid  }
0x8b: {  	s0 =	sand.u32 $0x1, s1  }
0x8c: {  	s16 =	sshll.u32 s0, $0xA;
	s2 =	sadd.s32 s3, s2  }
0x8d: {  	s2 =	sadd.s32 s2, s16  }
0x8e: {  	[smem:$0x3FB9] =	sst s2  }
0x8f: {  	_ = 	snop  }
0x90: {  	(tm) =	ssettm $0x1  }
0x91: {  	s17 =	sld [smem:$0x3FFB];
	_ =	sdelay $0x3  }
0x92: {  	_ =	strace s17  }
0x93: {  	s2 =	sld [smem:$0x3FFC];
	_ =	sdelay $0x3  }
0x94: {  	_ =	strace s2  }
0x95: {  	s2 =	sld [smem:$0x3FFD];
	_ =	sdelay $0x3  }
0x96: {  	_ =	strace s2  }
0x97: {  	_ =	strace $0x8FFFFFFF  }
0x98: {  	s18 =	sld [smem:$0x3FDB];
	_ =	sdelay $0x1  }
0x99: {  	s19 =	simm.s32 $_scs_section_size  }
0x9a: {  	s4 =	simm.s32 $_size__tile_overlayer_lowered;
	s5 =	simm.s32 $_tile_overlayer_lowered  }
0x9b: {  	s22 =	simm.s32 $0x1BFF;
	s21 =	sshll.u32 s5, $0x1;
	s2 =	sadd.s32 s19, s18  }
0x9c: {  	s6 =	simm.s32 $0x0;
	s20 =	sshll.u32 s4, $0x1;
	s4 =	sadd.s32 s21, s2  }
0x9d: {  	[timem:s6], [sflag:s22] =	dma.local [hbm:s4], s20  }
0x9e: {  	_ =	swait.ge [sflag:s22], s20  }
0x9f: {  	s3 =	ssub.s32 $0x0, s20;
	[sflag:s22] =	ssyncset.done $0x0  }
0xa0: {  	[sflag:s22] =	ssyncadd.s32 s3;
	_ =	sdelay $0x1  }
0xa1: {  	s23 =	simm.s32 $0x1B8B  }
0xa2: {  	_ =	swait.ge [sflag:s23], $0x1  }
0xa3: {  	[sflag:s23] =	ssyncset.done $0x0  }
0xa4: {  	s25 =	simm.s32 $0x1B8E;
	s24 =	sld [smem:$0x3FFE];
	[sflag:s23] =	ssyncadd.s32 $0xFFFFFFFF  }
0xa5: {  	s26 =	simm.s32 $execute0_lowered;
	[smem:$0x3FD2] =	sst s25  }
0xa6: {  	s4 =	sshll.u32 s26, $0x1;
	_ =	strace $0x80000046;
	[dreg:$0x1] =	wrdreg $0xFFFFFFFF  }
0xa7: {  	s28 =	simm.s32 $_size_execute0_lowered;
	s2 =	sadd.s32 s2, s4;
	[dreg:$0x0] =	wrdreg $0x0  }
0xa8: {  	s4 =	sshll.u32 s28, $0x1;
	[dreg:$0x2] =	wrdreg s2  }
0xa9: {  	[dreg:$0x3] =	wrdreg s4  }
0xaa: {  	[dreg:$0x4] =	wrdreg $0xC0  }
0xab: {  	_ =	task [dreg:s6], $0x5FFFF  }
0xac: {  	[dreg:$0x1] =	wrdreg $0xFFFFFFFF  }
0xad: {  	[dreg:$0x0] =	wrdreg $0x60  }
0xae: {  	[dreg:$0x2] =	wrdreg s24  }
0xaf: {  	[dreg:$0x3] =	wrdreg $0x28800  }
0xb0: {  	[dreg:$0x4] =	wrdreg $0x9  }
0xb1: {  	_ =	task.clear_ibuf [dreg:s6], $0x5FFFF;
	_ =	strace $0x90000046  }
0xb2: {  	s29 =	simm.s32 $0x9;
	_ =	strace $0x80000048  }
0xb3: {  	_ =	swait.ge [sflag:s29], $0x1  }
0xb4: {  	[sflag:s29] =	ssyncadd.s32 $0xFFFFFFFF  }
0xb5: {  	_ =	strace $0x90000048  }
0xb6: {  	_ =	sfence  }
0xb7: {  	s30 =	sld [smem:$0x0];
	_ =	sdelay $0x2  }
0xb8: {  	s31 =	sshll.u32 s1, $0xD;
	s1 =	sshrl.u32 s1, $0x2  }
0xb9: {  	s3 =	sand.u32 $0x4000, s31;
	s1 =	sadd.s32 s1, s30  }
0xba: {  	s0 =	sor.u32 s3, s0;
	s1 =	sshll.u32 s1, $0x11  }
0xbb: {  	s0 =	sor.u32 s1, s0  }
0xbc: {  	s0 =	sadd.s32 $0x8F2B, s0  }
0xbd: {  	[sflag:s0] =	ssyncadd.remote.s32 $0x1  }
0xbe: {  	_ =	sfence.sel $0xFFFF  }
0xbf: {  	[dreg:$0x0] =	wrdreg $0xFFFFFFFF;
	(pc) =	sbr.abs _section_cstart, $3  }
0xc0: {  	[dreg:$0x1] =	wrdreg $0xFFFFFFFF  }
0xc1: {  	_ =	task.clear_ibuf [dreg:s6], $0x2FFFF;
	_ =	strace $0x9FFFFFFF  }
0xc2: {  	(tm) =	ssettm $0x7FFFFFFF  }
0xc3: {  	_ =	shalt  }
tec
execute0_lowered:
.L_overlay_start_1:
0x0: {  	(tag) =	ssettag $0x1  }
0x1: {  	s1 =	srdreg.scid;
	s5 =	rddreg [dreg:$0x0]  }
0x2: {  	s0 =	stileid.u32;
	s2 =	rddreg [dreg:$0x1];
	s3 =	simm.s32 $0x0  }
0x3: {  	s12 =	simm.s32 $0x2800;
	s13 =	simm.s32 $0x0;
	s4 =	sand.u32 $0x1, s1  }
0x4: {  	s30 =	sshll.u32 s0, $0x1;
	s7 =	smul.u32 $0x280, s0;
	[smem:$0x7FF] =	sst s3  }
0x5: {  	s31 =	sshll.u32 s0, $0x6;
	s1 =	sor.u32 s4, s30;
	s8 =	smul.u32 $0x2800, s4  }
0x6: {  	s4 =	ssub.s32 $0x2, s4;
	s6 =	smul.u32 $0x500, s1;
	s1 =	rddreg [dreg:$0x2]  }
0x7: {  	_ =	strace $0x80000047;
	s9 =	sshrl.u32 s7, $0x3;
	s10 =	sshrl.u32 s4, $0x1  }
0x8: {  	s11 =	sadd.s32 s7, s2;
	s8 =	sadd.s32 s7, s8;
	s9 =	sadd.s32 s9, s5  }
0x9: {  	s10 =	ssub.s32 s4, s10;
	s6 =	sadd.s32 s6, s5;
	s8 =	sshrl.u32 s8, $0x3  }
0xa: {  	s4 =	sadd.s32 $0xA200, s9;
	s9 =	sshrl.u32 s11, $0x3;
	s11 =	simm.s32 $0x80  }
0xb: {  	s8 =	sadd.s32 s8, s5;
	s5 =	sor.u32 $0x1C01, s31;
	s6 =	sadd.s32 $0x200, s6  }
0xc: {  	v0 =	vimm.f32 $1.000000000e+00;
	s7 =	sadd.s32 $0xA800, s8;
	s8 =	smax.u32 s10, $0x1;
	s10 =	simm.s32 $0x1  }
.LBB2_1:
0xd: {  	[tilespmem:$0x2800] =	vst v0  }
0xe: {  	[tilespmem:$0x2810] =	vst v0  }
0xf: {  	[tilespmem:$0x2820] =	vst v0  }
0x10: {  	[tilespmem:$0x2830] =	vst v0  }
0x11: {  	[tilespmem:$0x2840] =	vst v0  }
0x12: {  	[tilespmem:$0x2850] =	vst v0  }
0x13: {  	[tilespmem:$0x2860] =	vst v0  }
0x14: {  	[tilespmem:$0x2870] =	vst v0  }
0x15: {  	[spmem:s9], [sflag:s5] =	dma.local [hbm:s4], $0x50  }
0x16: {  	_ =	swait.ge [sflag:s10], $0x50  }
0x17: {  	[sflag:s10] =	ssyncset.done $0x0  }
0x18: {  	[sflag:s10] =	ssyncadd.s32 $0xFFFFFFB0  }
0x19: {  	[tilespmem:s3], [sflag:$0x1] =	stream.linear.gather [hbm4b:s6+s3], $0x2800, $0x38;
	[tilespmem:$0x2B00] =	vst v63  }
0x1a: {  	_ =	swait.ge [sflag:s10], $0x2800  }
0x1b: {  	[sflag:s10] =	ssyncset.done $0x0  }
0x1c: {  	[sflag:s10] =	ssyncadd.s32 $0xFFFFD800  }
0x1d: {  	s14 =	simm.s32 $0x0;
	[bflag:$0x0] =	sbarrier.arrive $0xFFFF  }
0x1e: {  	[spmem:s2] =	stream.indirect.scatter.add.f32 [tilespmem:s12], [sflag:$0x1], $0x1, s14, s11, $0xb8;
	[tilespmem:$0x2B00] =	vst v63  }
0x1f: {  	_ =	swait.ge [sflag:s10], $0x80  }
0x20: {  	s14 =	simm.s32 $0x200;
	[sflag:s10] =	ssyncset.done $0x0  }
.LBB2_2:
0x21: {  	s15 =	sshra.s32 s14, $0x2;
	[sflag:s10] =	ssyncadd.s32 $0xFFFFFF80;
	p0 =	sne.s32 s14, $0x9E00  }
0x22: {  	[spmem:s2] =	stream.indirect.scatter.add.f32 [tilespmem:s12], [sflag:$0x1], $0x1, s15, s11, $0xb8;
	[tilespmem:$0x2B00] =	vst v63  }
.Ltmp0:
0x23: {  	_ = 	snop;
	(pc) =	sbr.rel @p0 .LBB2_2-.Ltmp0, $4  }
0x24: {  	_ = 	snop  }
0x25: {  	s14 =	sadd.s32 $0x200, s14  }
0x26: {  	_ =	swait.ge [sflag:s10], $0x80  }
0x27: {  	[sflag:s10] =	ssyncset.done $0x0  }
0x28: {  	s13 =	sadd.s32 $0x1, s13  }
0x29: {  	[sflag:s10] =	ssyncadd.s32 $0xFFFFFF80;
	p0 =	sne.s32 s13, s8  }
.Ltmp1:
0x2a: {  	[bflag:$0x0] =	sbarrier.arrive $0xFFFF;
	(pc) =	sbr.rel @p0 .LBB2_1-.Ltmp1, $4  }
0x2b: {  	[hbm:s7], [sflag:s5] =	dma.local [spmem:s9], $0x50  }
0x2c: {  	_ =	swait.ge [sflag:s10], $0x50  }
0x2d: {  	[sflag:s10] =	ssyncset.done $0x0  }
0x2e: {  	[sflag:s10] =	ssyncadd.s32 $0xFFFFFFB0  }
0x2f: {  	_ =	sfence.sel $0x180000  }
0x30: {  	[bflag:$0x0] =	sbarrier.arrive $0xFFFF  }
0x31: {  	p0 =	sne.s32 s0, $0x0;
	_ =	strace $0x90000047  }
0x32: {  	s0 =	sadd.s32 @!p0 $0x100000, s1;
	[bflag:$0x2] =	sbarrier.arrive $0xFFFF  }
0x33: {  	[sflag:s0] =	ssyncadd.tile.s32 @!p0 $0x1;
	_ =	shalt  }
.Lfunc_end2:
_tile_overlayer_lowered:
.L_overlay_start_2:
0x34: {  	(tag) =	ssettag $0x2  }
0x35: {  	s0 =	rddreg [dreg:$0x0];
	s2 =	stileid.u32  }
0x36: {  	s1 =	rddreg [dreg:$0x1];
	p0 =	sne.s32 s2, $0x0  }
0x37: {  	s3 =	rddreg [dreg:$0x2];
	[bflag:$0x3] =	sbarrier.arrive $0xFFFF;
	s2 =	simm.s32 @!p0 $0x1C01  }
0x38: {  	[timem:s3], [sflag:s2] =	dma.local @!p0 [hbm:s0], s1  }
0x39: {  	s0 =	simm.s32 @!p0 $0x1  }
0x3a: {  	_ =	swait.ge @!p0 [sflag:s0], s1  }
0x3b: {  	s1 =	ssub.s32 @!p0 $0x0, s1;
	[sflag:s0] =	ssyncset.done @!p0 $0x0  }
0x3c: {  	[sflag:s0] =	ssyncadd.s32 @!p0 s1  }
0x3d: {  	[bflag:$0x3] =	sbarrier.arrive $0xFFFF  }
0x3e: {  	_ =	shalt  }

// kernel: kernel.14.cloned.1.call-start
scs
__scs_entry_jumppad:
0x0: {  	(pc) =	sbr.rel $0x88, $3  }
0x1: {  	(tag) =	ssettag $0x0;
	lr =	simm.s32 $0x1  }
0x2: {  	[smem:$0x3F92] =	sst lr;
	_ =	strace $0xD0000000  }
0x3: {  	_ = 	snop  }
0x4: {  	_ = 	snop  }
0x5: {  	_ = 	snop  }
0x6: {  	_ = 	snop  }
0x7: {  	_ = 	snop  }
__scs_overlays_trampoline_lowered:
0x8: {  	[smem:$0x3FA1] =	sst s0  }
0x9: {  	[smem:$0x3FA2] =	sst s1  }
0xa: {  	[smem:$0x3FA3] =	sst s2  }
0xb: {  	[smem:$0x3FA4] =	sst s3  }
0xc: {  	[smem:$0x3FA5] =	sst s4  }
0xd: {  	[smem:$0x3FA6] =	sst s5  }
0xe: {  	[smem:$0x3FA7] =	sst s6  }
0xf: {  	[smem:$0x3FA8] =	sst s7  }
0x10: {  	[smem:$0x3FA9] =	sst s8  }
0x11: {  	[smem:$0x3FAA] =	sst s9;
	s0 =	simm.s32 @!p0 $0x0  }
0x12: {  	s1 =	sld [smem:$0x3F90];
	s0 =	simm.s32 @p0 $0x1  }
0x13: {  	[smem:$0x3FAB] =	sst s0;
	s0 =	simm.s32 @!p1 $0x0  }
0x14: {  	s2 =	sld [smem:$0x3F8F];
	s0 =	simm.s32 @p1 $0x1  }
0x15: {  	[smem:$0x3FAC] =	sst s0;
	s0 =	simm.s32 @!p2 $0x0  }
0x16: {  	s3 =	sld [smem:$0x3FDB];
	s0 =	simm.s32 @p2 $0x1  }
0x17: {  	s4 =	simm.s32 $0x1BF5;
	[smem:$0x3FAE] =	sst s0  }
0x18: {  	s0 =	sld [smem:$0x3F91];
	_ =	swait.ge [sflag:s4], $0x0  }
0x19: {  	s7 =	sld [smem:$0x3F92]  }
0x1a: {  	s8 =	sadd.s32 $0xFFFFE003, lr  }
0x1b: {  	s9 =	sadd.s32 $0xFFFFFEF7, lr;
	s5 =	simm.s32 $0xFFFFFFFF;
	p2 =	slt.u32 s8, $0xFFFFF086  }
0x1c: {  	p1 =	slt.u32 s9, $0xF7A;
	s5 =	simm.s32 @!p2 $0x0  }
0x1d: {  	s5 =	simm.s32 @p1 $0x1;
	p0 =	seq.s32 s7, s2  }
0x1e: {  	s7 =	smul.u32 @!p0 $0xF7A, s2;
	p2 =	seq.s32 @!p0 s5, $0x0  }
0x1f: {  	s9 =	smul.u32 $0xF7A, s1;
	s8 =	simm.s32 @!p0 $0x1BF5;
	p2 =	por !p2, p0  }
0x20: {  	[sflag:s8] =	ssyncset.s32 @!p0 $0xFFFFF086;
	s6 =	sadd.s32 @!p0 s3, s7;
	s7 =	simm.s32 @!p0 $0x108  }
0x21: {  	s3 =	sadd.s32 s3, s9;
	s6 =	sadd.s32 @!p0 $0x88, s6;
	s7 =	simm.s32 @p2 $0x1082  }
0x22: {  	[simem:s7], [sflag:s8] =	dma.local @!p0 [hbm:s6], $0xF7A  }
0x23: {  	s9 =	sor.u32 $0xD0000000, s2;
	s6 =	simm.s32 $0x108;
	_ =	swait.ge @!p0 [sflag:s8], $0x0  }
0x24: {  	s3 =	sadd.s32 $0x88, s3;
	s6 =	simm.s32 @!p1 $0x1082;
	[sflag:s4] =	ssyncset.s32 $0xFFFFF086  }
0x25: {  	[simem:s6], [sflag:s4] =	dma.local [hbm:s3], $0xF7A  }
0x26: {  	[smem:$0x3F92] =	sst s1;
	(tag) =	ssettag s2;
	_ =	strace s9  }
0x27: {  	s1 =	sld [smem:$0x3FA2]  }
0x28: {  	s2 =	sld [smem:$0x3FA3]  }
0x29: {  	s4 =	sld [smem:$0x3FA5]  }
0x2a: {  	p0 =	seq.s32 s5, $0x0;
	s5 =	sld [smem:$0x3FA6]  }
0x2b: {  	s6 =	sld [smem:$0x3FA7]  }
0x2c: {  	s7 =	sld [smem:$0x3FA8]  }
0x2d: {  	s3 =	simm.s32 $0x108;
	s8 =	sld [smem:$0x3FA9]  }
0x2e: {  	s3 =	simm.s32 @!p0 $0x1082;
	s9 =	sld [smem:$0x3FAA]  }
0x2f: {  	lr =	sadd.s32 s0, s3;
	s0 =	sld [smem:$0x3FA1]  }
0x30: {  	s3 =	sld [smem:$0x3FA4]  }
0x31: {  	[smem:$0x3FAD] =	sst s10  }
0x32: {  	s10 =	sld [smem:$0x3FAB];
	_ =	sdelay $0x3  }
0x33: {  	p0 =	seq.s32 s10, $0x1;
	s10 =	sld [smem:$0x3FAD];
	_ =	sdelay $0x3  }
0x34: {  	[smem:$0x3FAD] =	sst s10  }
0x35: {  	s10 =	sld [smem:$0x3FAC];
	_ =	sdelay $0x3  }
0x36: {  	p1 =	seq.s32 s10, $0x1;
	s10 =	sld [smem:$0x3FAD];
	_ =	sdelay $0x3  }
0x37: {  	[smem:$0x3FAD] =	sst s10  }
0x38: {  	s10 =	sld [smem:$0x3FAE]  }
0x39: {  	_ = 	snop;
	(pc) =	sbr.ind lr, $3  }
0x3a: {  	_ = 	snop  }
0x3b: {  	_ = 	snop  }
0x3c: {  	p2 =	seq.s32 s10, $0x1;
	s10 =	sld [smem:$0x3FAD]  }
0x3d: {  	_ =	shalt  }
0x3e: {  	_ =	shalt  }
0x3f: {  	_ =	shalt  }
0x40: {  	_ =	shalt  }
0x41: {  	_ =	shalt  }
0x42: {  	_ =	shalt  }
0x43: {  	_ =	shalt  }
0x44: {  	_ =	shalt  }
0x45: {  	_ =	shalt  }
0x46: {  	_ =	shalt  }
0x47: {  	_ =	shalt  }
0x48: {  	_ =	shalt  }
0x49: {  	_ =	shalt  }
0x4a: {  	_ =	shalt  }
0x4b: {  	_ =	shalt  }
0x4c: {  	_ =	shalt  }
0x4d: {  	_ =	shalt  }
0x4e: {  	_ =	shalt  }
0x4f: {  	_ =	shalt  }
0x50: {  	_ =	shalt  }
0x51: {  	_ =	shalt  }
0x52: {  	_ =	shalt  }
0x53: {  	_ =	shalt  }
0x54: {  	_ =	shalt  }
0x55: {  	_ =	shalt  }
0x56: {  	_ =	shalt  }
0x57: {  	_ =	shalt  }
0x58: {  	_ =	shalt  }
0x59: {  	_ =	shalt  }
0x5a: {  	_ =	shalt  }
0x5b: {  	_ =	shalt  }
0x5c: {  	_ =	shalt  }
0x5d: {  	_ =	shalt  }
0x5e: {  	_ =	shalt  }
0x5f: {  	_ =	shalt  }
0x60: {  	_ =	shalt  }
0x61: {  	_ =	shalt  }
0x62: {  	_ =	shalt  }
0x63: {  	_ =	shalt  }
0x64: {  	_ =	shalt  }
0x65: {  	_ =	shalt  }
0x66: {  	_ =	shalt  }
0x67: {  	_ =	shalt  }
0x68: {  	_ =	shalt  }
0x69: {  	_ =	shalt  }
0x6a: {  	_ =	shalt  }
0x6b: {  	_ =	shalt  }
0x6c: {  	_ =	shalt  }
0x6d: {  	_ =	shalt  }
0x6e: {  	_ =	shalt  }
0x6f: {  	_ =	shalt  }
0x70: {  	_ =	shalt  }
0x71: {  	_ =	shalt  }
0x72: {  	_ =	shalt  }
0x73: {  	_ =	shalt  }
0x74: {  	_ =	shalt  }
0x75: {  	_ =	shalt  }
0x76: {  	_ =	shalt  }
0x77: {  	_ =	shalt  }
0x78: {  	_ =	shalt  }
0x79: {  	_ =	shalt  }
0x7a: {  	_ =	shalt  }
0x7b: {  	_ =	shalt  }
0x7c: {  	_ =	shalt  }
0x7d: {  	_ =	shalt  }
0x7e: {  	_ =	shalt  }
0x7f: {  	_ =	shalt  }
0x80: {  	_ =	shalt  }
0x81: {  	_ =	shalt  }
0x82: {  	_ =	shalt  }
0x83: {  	_ =	shalt  }
0x84: {  	_ =	shalt  }
0x85: {  	_ =	shalt  }
0x86: {  	_ =	shalt  }
0x87: {  	_ =	shalt  }
.Lfunc_end0:
.L_simem_size_0:
called_computation.1_lowered:
.L_overlay_start_0:
0x88: {  	s2 =	sld [smem:$0x3FD9]  }
0x89: {  	s3 =	sld [smem:$0x3FFE];
	_ =	sdelay $0x1  }
0x8a: {  	s1 =	srdreg.scid  }
0x8b: {  	s0 =	sand.u32 $0x1, s1  }
0x8c: {  	s16 =	sshll.u32 s0, $0xA;
	s2 =	sadd.s32 s3, s2  }
0x8d: {  	s2 =	sadd.s32 s2, s16  }
0x8e: {  	[smem:$0x3FB9] =	sst s2  }
0x8f: {  	_ = 	snop  }
0x90: {  	(tm) =	ssettm $0x1  }
0x91: {  	s17 =	sld [smem:$0x3FFB];
	_ =	sdelay $0x3  }
0x92: {  	_ =	strace s17  }
0x93: {  	s2 =	sld [smem:$0x3FFC];
	_ =	sdelay $0x3  }
0x94: {  	_ =	strace s2  }
0x95: {  	s2 =	sld [smem:$0x3FFD];
	_ =	sdelay $0x3  }
0x96: {  	_ =	strace s2  }
0x97: {  	_ =	strace $0x8FFFFFFF  }
0x98: {  	s18 =	sld [smem:$0x3FDB];
	_ =	sdelay $0x1  }
0x99: {  	s19 =	simm.s32 $_scs_section_size  }
0x9a: {  	s4 =	simm.s32 $_size__tile_overlayer_lowered;
	s5 =	simm.s32 $_tile_overlayer_lowered  }
0x9b: {  	s22 =	simm.s32 $0x1BFF;
	s21 =	sshll.u32 s5, $0x1;
	s2 =	sadd.s32 s19, s18  }
0x9c: {  	s6 =	simm.s32 $0x0;
	s20 =	sshll.u32 s4, $0x1;
	s4 =	sadd.s32 s21, s2  }
0x9d: {  	[timem:s6], [sflag:s22] =	dma.local [hbm:s4], s20  }
0x9e: {  	_ =	swait.ge [sflag:s22], s20  }
0x9f: {  	s3 =	ssub.s32 $0x0, s20;
	[sflag:s22] =	ssyncset.done $0x0  }
0xa0: {  	[sflag:s22] =	ssyncadd.s32 s3;
	_ =	sdelay $0x1  }
0xa1: {  	s23 =	simm.s32 $0x1B8B  }
0xa2: {  	_ =	swait.ge [sflag:s23], $0x1  }
0xa3: {  	[sflag:s23] =	ssyncset.done $0x0  }
0xa4: {  	s25 =	simm.s32 $0x1B8E;
	s24 =	sld [smem:$0x3FFE];
	[sflag:s23] =	ssyncadd.s32 $0xFFFFFFFF  }
0xa5: {  	s26 =	simm.s32 $execute0_lowered;
	[smem:$0x3FD2] =	sst s25  }
0xa6: {  	s4 =	sshll.u32 s26, $0x1;
	_ =	strace $0x80000049;
	[dreg:$0x1] =	wrdreg $0xFFFFFFFF  }
0xa7: {  	s28 =	simm.s32 $_size_execute0_lowered;
	s2 =	sadd.s32 s2, s4;
	[dreg:$0x0] =	wrdreg $0x0  }
0xa8: {  	s4 =	sshll.u32 s28, $0x1;
	[dreg:$0x2] =	wrdreg s2  }
0xa9: {  	[dreg:$0x3] =	wrdreg s4  }
0xaa: {  	[dreg:$0x4] =	wrdreg $0xC0  }
0xab: {  	_ =	task [dreg:s6], $0x5FFFF  }
0xac: {  	[dreg:$0x1] =	wrdreg $0xFFFFFFFF  }
0xad: {  	[dreg:$0x0] =	wrdreg $0x60  }
0xae: {  	[dreg:$0x2] =	wrdreg s24  }
0xaf: {  	[dreg:$0x3] =	wrdreg $0x70000  }
0xb0: {  	[dreg:$0x4] =	wrdreg $0x9  }
0xb1: {  	_ =	task.clear_ibuf [dreg:s6], $0x5FFFF;
	_ =	strace $0x90000049  }
0xb2: {  	s29 =	simm.s32 $0x9;
	_ =	strace $0x8000004B  }
0xb3: {  	_ =	swait.ge [sflag:s29], $0x1  }
0xb4: {  	[sflag:s29] =	ssyncadd.s32 $0xFFFFFFFF  }
0xb5: {  	_ =	strace $0x9000004B  }
0xb6: {  	_ =	sfence  }
0xb7: {  	s30 =	sld [smem:$0x0];
	_ =	sdelay $0x2  }
0xb8: {  	s31 =	sshll.u32 s1, $0xD;
	s1 =	sshrl.u32 s1, $0x2  }
0xb9: {  	s3 =	sand.u32 $0x4000, s31;
	s1 =	sadd.s32 s1, s30  }
0xba: {  	s0 =	sor.u32 s3, s0;
	s1 =	sshll.u32 s1, $0x11  }
0xbb: {  	s0 =	sor.u32 s1, s0  }
0xbc: {  	s0 =	sadd.s32 $0x8F2B, s0  }
0xbd: {  	[sflag:s0] =	ssyncadd.remote.s32 $0x1  }
0xbe: {  	_ =	sfence.sel $0xFFFF  }
0xbf: {  	[dreg:$0x0] =	wrdreg $0xFFFFFFFF;
	(pc) =	sbr.abs _section_cstart, $3  }
0xc0: {  	[dreg:$0x1] =	wrdreg $0xFFFFFFFF  }
0xc1: {  	_ =	task.clear_ibuf [dreg:s6], $0x2FFFF;
	_ =	strace $0x9FFFFFFF  }
0xc2: {  	(tm) =	ssettm $0x7FFFFFFF  }
0xc3: {  	_ =	shalt  }
tec
execute0_lowered:
.L_overlay_start_1:
0x0: {  	(tag) =	ssettag $0x1  }
0x1: {  	s1 =	srdreg.scid  }
0x2: {  	s0 =	stileid.u32;
	s6 =	rddreg [dreg:$0x0]  }
0x3: {  	s2 =	rddreg [dreg:$0x1];
	s3 =	simm.s32 $0x0;
	s14 =	simm.s32 $0x80  }
0x4: {  	s15 =	simm.s32 $0x5000;
	s16 =	simm.s32 $0x1;
	s17 =	simm.s32 $0x0  }
0x5: {  	s5 =	sand.u32 $0x1, s1;
	s28 =	sshll.u32 s0, $0x1;
	s8 =	smul.u32 $0xA000, s0  }
0x6: {  	[smem:$0x7FF] =	sst s3;
	s4 =	sadd.s32 $0x15200, s6;
	s31 =	sshll.u32 s0, $0x6  }
0x7: {  	s1 =	sor.u32 s5, s28;
	s9 =	smul.u32 $0xA0000, s5;
	s5 =	ssub.s32 $0x2, s5  }
0x8: {  	s7 =	smul.u32 $0x500, s1;
	s1 =	rddreg [dreg:$0x2];
	_ =	strace $0x8000004A  }
0x9: {  	s30 =	sshrl.u32 s8, $0x3;
	s11 =	sshrl.u32 s5, $0x1;
	s13 =	sadd.s32 s8, s2  }
0xa: {  	s29 =	sadd.s32 s8, s9;
	s9 =	sadd.s32 s30, s6;
	s11 =	ssub.s32 s5, s11  }
0xb: {  	s10 =	sadd.s32 s7, s6;
	s7 =	sshrl.u32 s29, $0x3;
	s5 =	sadd.s32 $0x29200, s9  }
0xc: {  	s12 =	sadd.s32 s7, s6;
	s6 =	sor.u32 $0x1C02, s31;
	s7 =	sadd.s32 $0xB200, s10  }
0xd: {  	s8 =	sadd.s32 $0x200, s10;
	s10 =	smax.u32 s11, $0x1;
	s11 =	sshrl.u32 s13, $0x3  }
0xe: {  	s13 =	simm.s32 $0x2800;
	s9 =	sadd.s32 $0x3D200, s12;
	s12 =	simm.s32 $0x2  }
.LBB2_1:
0xf: {  	[spmem:s11], [sflag:s6] =	dma.local [hbm:s5], $0x1400  }
0x10: {  	_ =	swait.ge [sflag:s12], $0x1400  }
0x11: {  	[sflag:s12] =	ssyncset.done $0x0  }
0x12: {  	[sflag:s12] =	ssyncadd.s32 $0xFFFFEC00  }
0x13: {  	[tilespmem:s3], [sflag:$0x2] =	stream.linear.gather [hbm4b:s7+s3], $0x2800, $0x38;
	[tilespmem:$0x11000] =	vst v63  }
0x14: {  	_ =	swait.ge [sflag:s12], $0x2800  }
0x15: {  	[sflag:s12] =	ssyncset.done $0x0  }
0x16: {  	[sflag:s12] =	ssyncadd.s32 $0xFFFFD800  }
0x17: {  	[tilespmem:s13], [sflag:$0x2] =	stream.linear.gather [hbm4b:s8+s3], $0x2800, $0x38;
	[tilespmem:$0x11000] =	vst v63  }
0x18: {  	_ =	swait.ge [sflag:s12], $0x2800  }
0x19: {  	[sflag:s12] =	ssyncset.done $0x0  }
0x1a: {  	[sflag:s12] =	ssyncadd.s32 $0xFFFFD800  }
0x1b: {  	s18 =	simm.s32 $0x0;
	[bflag:$0x0] =	sbarrier.arrive $0xFFFF  }
0x1c: {  	[tilespmem:s15], [sflag:$0x1] =	stream.indirect.gather [hbm4b:s4+s14], $0x40, s18, s14, $0xb8;
	[tilespmem:$0x11000] =	vst v63  }
0x1d: {  	_ =	swait.ge [sflag:s16], $0x2000  }
0x1e: {  	[sflag:s16] =	ssyncset.done $0x0  }
0x1f: {  	s31 =	simm.s32 $0x2800;
	[sflag:s16] =	ssyncadd.s32 $0xFFFFE000  }
0x20: {  	[spmem:s2] =	stream.indirect.scatter.add.f32 [tilespmem:s15], [sflag:$0x2], $0x40, s31, s14, $0xb8;
	[tilespmem:$0x11000] =	vst v63  }
0x21: {  	_ =	swait.ge [sflag:s12], $0x2000  }
0x22: {  	s19 =	simm.s32 $0x400;
	s18 =	simm.s32 $0x200;
	[sflag:s12] =	ssyncset.done $0x0  }
.LBB2_2:
0x23: {  	s20 =	sshra.s32 s18, $0x2  }
0x24: {  	[sflag:s12] =	ssyncadd.s32 $0xFFFFE000;
	s18 =	smov.u32 s19;
	s21 =	sadd.s32 $0x200, s19  }
0x25: {  	[tilespmem:s15], [sflag:$0x1] =	stream.indirect.gather [hbm4b:s4+s14], $0x40, s20, s14, $0xb8;
	[tilespmem:$0x11000] =	vst v63  }
0x26: {  	p0 =	sne.s32 s19, $0x9E00;
	_ =	swait.ge [sflag:s16], $0x2000  }
.Ltmp0:
0x27: {  	[sflag:s16] =	ssyncset.done $0x0;
	(pc) =	sbr.rel @p0 .LBB2_2-.Ltmp0, $4  }
0x28: {  	s19 =	sadd.s32 $0x2800, s20;
	[sflag:s16] =	ssyncadd.s32 $0xFFFFE000  }
0x29: {  	[spmem:s2] =	stream.indirect.scatter.add.f32 [tilespmem:s15], [sflag:$0x2], $0x40, s19, s14, $0xb8;
	[tilespmem:$0x11000] =	vst v63  }
0x2a: {  	_ =	swait.ge [sflag:s12], $0x2000  }
0x2b: {  	s19 =	smov.u32 s21;
	[sflag:s12] =	ssyncset.done $0x0  }
0x2c: {  	s18 =	sshra.s32 s18, $0x2;
	[sflag:s12] =	ssyncadd.s32 $0xFFFFE000  }
0x2d: {  	[tilespmem:s15], [sflag:$0x1] =	stream.indirect.gather [hbm4b:s4+s14], $0x40, s18, s14, $0xb8;
	[tilespmem:$0x11000] =	vst v63  }
0x2e: {  	_ =	swait.ge [sflag:s16], $0x2000  }
0x2f: {  	[sflag:s16] =	ssyncset.done $0x0  }
0x30: {  	s18 =	sadd.s32 $0x2800, s18;
	[sflag:s16] =	ssyncadd.s32 $0xFFFFE000  }
0x31: {  	[spmem:s2] =	stream.indirect.scatter.add.f32 [tilespmem:s15], [sflag:$0x2], $0x40, s18, s14, $0xb8;
	[tilespmem:$0x11000] =	vst v63  }
0x32: {  	_ =	swait.ge [sflag:s12], $0x2000  }
0x33: {  	s17 =	sadd.s32 $0x1, s17;
	[sflag:s12] =	ssyncset.done $0x0  }
0x34: {  	p0 =	sne.s32 s17, s10;
	[sflag:s12] =	ssyncadd.s32 $0xFFFFE000  }
.Ltmp1:
0x35: {  	[bflag:$0x0] =	sbarrier.arrive $0xFFFF;
	(pc) =	sbr.rel @p0 .LBB2_1-.Ltmp1, $4  }
0x36: {  	[hbm:s9], [sflag:s6] =	dma.local [spmem:s11], $0x1400  }
0x37: {  	_ =	swait.ge [sflag:s12], $0x1400  }
0x38: {  	[sflag:s12] =	ssyncset.done $0x0  }
0x39: {  	[sflag:s12] =	ssyncadd.s32 $0xFFFFEC00  }
0x3a: {  	_ =	sfence.sel $0x180000  }
0x3b: {  	[bflag:$0x0] =	sbarrier.arrive $0xFFFF  }
0x3c: {  	p0 =	sne.s32 s0, $0x0;
	_ =	strace $0x9000004A  }
0x3d: {  	s0 =	sadd.s32 @!p0 $0x100000, s1;
	[bflag:$0x2] =	sbarrier.arrive $0xFFFF  }
0x3e: {  	[sflag:s0] =	ssyncadd.tile.s32 @!p0 $0x1;
	_ =	shalt  }
.Lfunc_end2:
_tile_overlayer_lowered:
.L_overlay_start_2:
0x3f: {  	(tag) =	ssettag $0x2  }
0x40: {  	s0 =	rddreg [dreg:$0x0];
	s2 =	stileid.u32  }
0x41: {  	s1 =	rddreg [dreg:$0x1];
	p0 =	sne.s32 s2, $0x0  }
0x42: {  	s3 =	rddreg [dreg:$0x2];
	[bflag:$0x3] =	sbarrier.arrive $0xFFFF;
	s2 =	simm.s32 @!p0 $0x1C02  }
0x43: {  	[timem:s3], [sflag:s2] =	dma.local @!p0 [hbm:s0], s1  }
0x44: {  	s0 =	simm.s32 @!p0 $0x2  }
0x45: {  	_ =	swait.ge @!p0 [sflag:s0], s1  }
0x46: {  	s1 =	ssub.s32 @!p0 $0x0, s1;
	[sflag:s0] =	ssyncset.done @!p0 $0x0  }
0x47: {  	[sflag:s0] =	ssyncadd.s32 @!p0 s1  }
0x48: {  	[bflag:$0x3] =	sbarrier.arrive $0xFFFF  }
0x49: {  	_ =	shalt  }

// kernel: kernel.17.cloned.1.call-start
scs
__scs_entry_jumppad:
0x0: {  	(pc) =	sbr.rel $0x88, $3  }
0x1: {  	(tag) =	ssettag $0x0;
	lr =	simm.s32 $0x1  }
0x2: {  	[smem:$0x3F92] =	sst lr;
	_ =	strace $0xD0000000  }
0x3: {  	_ = 	snop  }
0x4: {  	_ = 	snop  }
0x5: {  	_ = 	snop  }
0x6: {  	_ = 	snop  }
0x7: {  	_ = 	snop  }
__scs_overlays_trampoline_lowered:
0x8: {  	[smem:$0x3FA1] =	sst s0  }
0x9: {  	[smem:$0x3FA2] =	sst s1  }
0xa: {  	[smem:$0x3FA3] =	sst s2  }
0xb: {  	[smem:$0x3FA4] =	sst s3  }
0xc: {  	[smem:$0x3FA5] =	sst s4  }
0xd: {  	[smem:$0x3FA6] =	sst s5  }
0xe: {  	[smem:$0x3FA7] =	sst s6  }
0xf: {  	[smem:$0x3FA8] =	sst s7  }
0x10: {  	[smem:$0x3FA9] =	sst s8  }
0x11: {  	[smem:$0x3FAA] =	sst s9;
	s0 =	simm.s32 @!p0 $0x0  }
0x12: {  	s1 =	sld [smem:$0x3F90];
	s0 =	simm.s32 @p0 $0x1  }
0x13: {  	[smem:$0x3FAB] =	sst s0;
	s0 =	simm.s32 @!p1 $0x0  }
0x14: {  	s2 =	sld [smem:$0x3F8F];
	s0 =	simm.s32 @p1 $0x1  }
0x15: {  	[smem:$0x3FAC] =	sst s0;
	s0 =	simm.s32 @!p2 $0x0  }
0x16: {  	s3 =	sld [smem:$0x3FDB];
	s0 =	simm.s32 @p2 $0x1  }
0x17: {  	s4 =	simm.s32 $0x1BF5;
	[smem:$0x3FAE] =	sst s0  }
0x18: {  	s0 =	sld [smem:$0x3F91];
	_ =	swait.ge [sflag:s4], $0x0  }
0x19: {  	s7 =	sld [smem:$0x3F92]  }
0x1a: {  	s8 =	sadd.s32 $0xFFFFE003, lr  }
0x1b: {  	s9 =	sadd.s32 $0xFFFFFEF7, lr;
	s5 =	simm.s32 $0xFFFFFFFF;
	p2 =	slt.u32 s8, $0xFFFFF086  }
0x1c: {  	p1 =	slt.u32 s9, $0xF7A;
	s5 =	simm.s32 @!p2 $0x0  }
0x1d: {  	s5 =	simm.s32 @p1 $0x1;
	p0 =	seq.s32 s7, s2  }
0x1e: {  	s7 =	smul.u32 @!p0 $0xF7A, s2;
	p2 =	seq.s32 @!p0 s5, $0x0  }
0x1f: {  	s9 =	smul.u32 $0xF7A, s1;
	s8 =	simm.s32 @!p0 $0x1BF5;
	p2 =	por !p2, p0  }
0x20: {  	[sflag:s8] =	ssyncset.s32 @!p0 $0xFFFFF086;
	s6 =	sadd.s32 @!p0 s3, s7;
	s7 =	simm.s32 @!p0 $0x108  }
0x21: {  	s3 =	sadd.s32 s3, s9;
	s6 =	sadd.s32 @!p0 $0x88, s6;
	s7 =	simm.s32 @p2 $0x1082  }
0x22: {  	[simem:s7], [sflag:s8] =	dma.local @!p0 [hbm:s6], $0xF7A  }
0x23: {  	s9 =	sor.u32 $0xD0000000, s2;
	s6 =	simm.s32 $0x108;
	_ =	swait.ge @!p0 [sflag:s8], $0x0  }
0x24: {  	s3 =	sadd.s32 $0x88, s3;
	s6 =	simm.s32 @!p1 $0x1082;
	[sflag:s4] =	ssyncset.s32 $0xFFFFF086  }
0x25: {  	[simem:s6], [sflag:s4] =	dma.local [hbm:s3], $0xF7A  }
0x26: {  	[smem:$0x3F92] =	sst s1;
	(tag) =	ssettag s2;
	_ =	strace s9  }
0x27: {  	s1 =	sld [smem:$0x3FA2]  }
0x28: {  	s2 =	sld [smem:$0x3FA3]  }
0x29: {  	s4 =	sld [smem:$0x3FA5]  }
0x2a: {  	p0 =	seq.s32 s5, $0x0;
	s5 =	sld [smem:$0x3FA6]  }
0x2b: {  	s6 =	sld [smem:$0x3FA7]  }
0x2c: {  	s7 =	sld [smem:$0x3FA8]  }
0x2d: {  	s3 =	simm.s32 $0x108;
	s8 =	sld [smem:$0x3FA9]  }
0x2e: {  	s3 =	simm.s32 @!p0 $0x1082;
	s9 =	sld [smem:$0x3FAA]  }
0x2f: {  	lr =	sadd.s32 s0, s3;
	s0 =	sld [smem:$0x3FA1]  }
0x30: {  	s3 =	sld [smem:$0x3FA4]  }
0x31: {  	[smem:$0x3FAD] =	sst s10  }
0x32: {  	s10 =	sld [smem:$0x3FAB];
	_ =	sdelay $0x3  }
0x33: {  	p0 =	seq.s32 s10, $0x1;
	s10 =	sld [smem:$0x3FAD];
	_ =	sdelay $0x3  }
0x34: {  	[smem:$0x3FAD] =	sst s10  }
0x35: {  	s10 =	sld [smem:$0x3FAC];
	_ =	sdelay $0x3  }
0x36: {  	p1 =	seq.s32 s10, $0x1;
	s10 =	sld [smem:$0x3FAD];
	_ =	sdelay $0x3  }
0x37: {  	[smem:$0x3FAD] =	sst s10  }
0x38: {  	s10 =	sld [smem:$0x3FAE]  }
0x39: {  	_ = 	snop;
	(pc) =	sbr.ind lr, $3  }
0x3a: {  	_ = 	snop  }
0x3b: {  	_ = 	snop  }
0x3c: {  	p2 =	seq.s32 s10, $0x1;
	s10 =	sld [smem:$0x3FAD]  }
0x3d: {  	_ =	shalt  }
0x3e: {  	_ =	shalt  }
0x3f: {  	_ =	shalt  }
0x40: {  	_ =	shalt  }
0x41: {  	_ =	shalt  }
0x42: {  	_ =	shalt  }
0x43: {  	_ =	shalt  }
0x44: {  	_ =	shalt  }
0x45: {  	_ =	shalt  }
0x46: {  	_ =	shalt  }
0x47: {  	_ =	shalt  }
0x48: {  	_ =	shalt  }
0x49: {  	_ =	shalt  }
0x4a: {  	_ =	shalt  }
0x4b: {  	_ =	shalt  }
0x4c: {  	_ =	shalt  }
0x4d: {  	_ =	shalt  }
0x4e: {  	_ =	shalt  }
0x4f: {  	_ =	shalt  }
0x50: {  	_ =	shalt  }
0x51: {  	_ =	shalt  }
0x52: {  	_ =	shalt  }
0x53: {  	_ =	shalt  }
0x54: {  	_ =	shalt  }
0x55: {  	_ =	shalt  }
0x56: {  	_ =	shalt  }
0x57: {  	_ =	shalt  }
0x58: {  	_ =	shalt  }
0x59: {  	_ =	shalt  }
0x5a: {  	_ =	shalt  }
0x5b: {  	_ =	shalt  }
0x5c: {  	_ =	shalt  }
0x5d: {  	_ =	shalt  }
0x5e: {  	_ =	shalt  }
0x5f: {  	_ =	shalt  }
0x60: {  	_ =	shalt  }
0x61: {  	_ =	shalt  }
0x62: {  	_ =	shalt  }
0x63: {  	_ =	shalt  }
0x64: {  	_ =	shalt  }
0x65: {  	_ =	shalt  }
0x66: {  	_ =	shalt  }
0x67: {  	_ =	shalt  }
0x68: {  	_ =	shalt  }
0x69: {  	_ =	shalt  }
0x6a: {  	_ =	shalt  }
0x6b: {  	_ =	shalt  }
0x6c: {  	_ =	shalt  }
0x6d: {  	_ =	shalt  }
0x6e: {  	_ =	shalt  }
0x6f: {  	_ =	shalt  }
0x70: {  	_ =	shalt  }
0x71: {  	_ =	shalt  }
0x72: {  	_ =	shalt  }
0x73: {  	_ =	shalt  }
0x74: {  	_ =	shalt  }
0x75: {  	_ =	shalt  }
0x76: {  	_ =	shalt  }
0x77: {  	_ =	shalt  }
0x78: {  	_ =	shalt  }
0x79: {  	_ =	shalt  }
0x7a: {  	_ =	shalt  }
0x7b: {  	_ =	shalt  }
0x7c: {  	_ =	shalt  }
0x7d: {  	_ =	shalt  }
0x7e: {  	_ =	shalt  }
0x7f: {  	_ =	shalt  }
0x80: {  	_ =	shalt  }
0x81: {  	_ =	shalt  }
0x82: {  	_ =	shalt  }
0x83: {  	_ =	shalt  }
0x84: {  	_ =	shalt  }
0x85: {  	_ =	shalt  }
0x86: {  	_ =	shalt  }
0x87: {  	_ =	shalt  }
.Lfunc_end0:
.L_simem_size_0:
called_computation.2_lowered:
.L_overlay_start_0:
0x88: {  	s2 =	sld [smem:$0x3FD9]  }
0x89: {  	s3 =	sld [smem:$0x3FFE];
	_ =	sdelay $0x1  }
0x8a: {  	s1 =	srdreg.scid  }
0x8b: {  	s0 =	sand.u32 $0x1, s1  }
0x8c: {  	s16 =	sshll.u32 s0, $0xA;
	s2 =	sadd.s32 s3, s2  }
0x8d: {  	s2 =	sadd.s32 s2, s16  }
0x8e: {  	[smem:$0x3FB9] =	sst s2  }
0x8f: {  	_ = 	snop  }
0x90: {  	(tm) =	ssettm $0x1  }
0x91: {  	s17 =	sld [smem:$0x3FFB];
	_ =	sdelay $0x3  }
0x92: {  	_ =	strace s17  }
0x93: {  	s2 =	sld [smem:$0x3FFC];
	_ =	sdelay $0x3  }
0x94: {  	_ =	strace s2  }
0x95: {  	s2 =	sld [smem:$0x3FFD];
	_ =	sdelay $0x3  }
0x96: {  	_ =	strace s2  }
0x97: {  	_ =	strace $0x8FFFFFFF  }
0x98: {  	s18 =	sld [smem:$0x3FDB];
	_ =	sdelay $0x1  }
0x99: {  	s19 =	simm.s32 $_scs_section_size  }
0x9a: {  	s4 =	simm.s32 $_size__tile_overlayer_lowered;
	s5 =	simm.s32 $_tile_overlayer_lowered  }
0x9b: {  	s22 =	simm.s32 $0x1BFF;
	s21 =	sshll.u32 s5, $0x1;
	s2 =	sadd.s32 s19, s18  }
0x9c: {  	s6 =	simm.s32 $0x0;
	s20 =	sshll.u32 s4, $0x1;
	s4 =	sadd.s32 s21, s2  }
0x9d: {  	[timem:s6], [sflag:s22] =	dma.local [hbm:s4], s20  }
0x9e: {  	_ =	swait.ge [sflag:s22], s20  }
0x9f: {  	s3 =	ssub.s32 $0x0, s20;
	[sflag:s22] =	ssyncset.done $0x0  }
0xa0: {  	[sflag:s22] =	ssyncadd.s32 s3;
	_ =	sdelay $0x1  }
0xa1: {  	s23 =	simm.s32 $0x1B8B  }
0xa2: {  	_ =	swait.ge [sflag:s23], $0x1  }
0xa3: {  	[sflag:s23] =	ssyncset.done $0x0  }
0xa4: {  	s25 =	simm.s32 $0x1B8E;
	s24 =	sld [smem:$0x3FFE];
	[sflag:s23] =	ssyncadd.s32 $0xFFFFFFFF  }
0xa5: {  	s26 =	simm.s32 $execute0_lowered;
	[smem:$0x3FD2] =	sst s25  }
0xa6: {  	s4 =	sshll.u32 s26, $0x1;
	_ =	strace $0x8000004C;
	[dreg:$0x1] =	wrdreg $0xFFFFFFFF  }
0xa7: {  	s28 =	simm.s32 $_size_execute0_lowered;
	s2 =	sadd.s32 s2, s4;
	[dreg:$0x0] =	wrdreg $0x0  }
0xa8: {  	s4 =	sshll.u32 s28, $0x1;
	[dreg:$0x2] =	wrdreg s2  }
0xa9: {  	[dreg:$0x3] =	wrdreg s4  }
0xaa: {  	[dreg:$0x4] =	wrdreg $0xC0  }
0xab: {  	_ =	task [dreg:s6], $0x5FFFF  }
0xac: {  	[dreg:$0x1] =	wrdreg $0xFFFFFFFF  }
0xad: {  	[dreg:$0x0] =	wrdreg $0x60  }
0xae: {  	[dreg:$0x2] =	wrdreg s24  }
0xaf: {  	[dreg:$0x3] =	wrdreg $0x70000  }
0xb0: {  	[dreg:$0x4] =	wrdreg $0x9  }
0xb1: {  	_ =	task.clear_ibuf [dreg:s6], $0x5FFFF;
	_ =	strace $0x9000004C  }
0xb2: {  	s29 =	simm.s32 $0x9;
	_ =	strace $0x8000004E  }
0xb3: {  	_ =	swait.ge [sflag:s29], $0x1  }
0xb4: {  	[sflag:s29] =	ssyncadd.s32 $0xFFFFFFFF  }
0xb5: {  	_ =	strace $0x9000004E  }
0xb6: {  	_ =	sfence  }
0xb7: {  	s30 =	sld [smem:$0x0];
	_ =	sdelay $0x2  }
0xb8: {  	s31 =	sshll.u32 s1, $0xD;
	s1 =	sshrl.u32 s1, $0x2  }
0xb9: {  	s3 =	sand.u32 $0x4000, s31;
	s1 =	sadd.s32 s1, s30  }
0xba: {  	s0 =	sor.u32 s3, s0;
	s1 =	sshll.u32 s1, $0x11  }
0xbb: {  	s0 =	sor.u32 s1, s0  }
0xbc: {  	s0 =	sadd.s32 $0x8F2B, s0  }
0xbd: {  	[sflag:s0] =	ssyncadd.remote.s32 $0x1  }
0xbe: {  	_ =	sfence.sel $0xFFFF  }
0xbf: {  	[dreg:$0x0] =	wrdreg $0xFFFFFFFF;
	(pc) =	sbr.abs _section_cstart, $3  }
0xc0: {  	[dreg:$0x1] =	wrdreg $0xFFFFFFFF  }
0xc1: {  	_ =	task.clear_ibuf [dreg:s6], $0x2FFFF;
	_ =	strace $0x9FFFFFFF  }
0xc2: {  	(tm) =	ssettm $0x7FFFFFFF  }
0xc3: {  	_ =	shalt  }
tec
execute0_lowered:
.L_overlay_start_1:
0x0: {  	(tag) =	ssettag $0x1  }
0x1: {  	s1 =	srdreg.scid  }
0x2: {  	s0 =	stileid.u32;
	s6 =	rddreg [dreg:$0x0]  }
0x3: {  	s2 =	rddreg [dreg:$0x1];
	s3 =	simm.s32 $0x0;
	s14 =	simm.s32 $0x80  }
0x4: {  	s15 =	simm.s32 $0x5000;
	s16 =	simm.s32 $0x1;
	s17 =	simm.s32 $0x0  }
0x5: {  	s5 =	sand.u32 $0x1, s1;
	s28 =	sshll.u32 s0, $0x1;
	s8 =	smul.u32 $0xA000, s0  }
0x6: {  	[smem:$0x7FF] =	sst s3;
	s4 =	sadd.s32 $0x15200, s6;
	s31 =	sshll.u32 s0, $0x6  }
0x7: {  	s1 =	sor.u32 s5, s28;
	s9 =	smul.u32 $0xA0000, s5;
	s5 =	ssub.s32 $0x2, s5  }
0x8: {  	s7 =	smul.u32 $0x500, s1;
	s1 =	rddreg [dreg:$0x2];
	_ =	strace $0x8000004D  }
0x9: {  	s30 =	sshrl.u32 s8, $0x3;
	s11 =	sshrl.u32 s5, $0x1;
	s13 =	sadd.s32 s8, s2  }
0xa: {  	s29 =	sadd.s32 s8, s9;
	s9 =	sadd.s32 s30, s6;
	s11 =	ssub.s32 s5, s11  }
0xb: {  	s10 =	sadd.s32 s7, s6;
	s7 =	sshrl.u32 s29, $0x3;
	s5 =	sadd.s32 $0x29200, s9  }
0xc: {  	s12 =	sadd.s32 s7, s6;
	s6 =	sor.u32 $0x1C02, s31;
	s7 =	sadd.s32 $0xB200, s10  }
0xd: {  	s8 =	sadd.s32 $0x200, s10;
	s10 =	smax.u32 s11, $0x1;
	s11 =	sshrl.u32 s13, $0x3  }
0xe: {  	s13 =	simm.s32 $0x2800;
	s9 =	sadd.s32 $0x3D200, s12;
	s12 =	simm.s32 $0x2  }
.LBB2_1:
0xf: {  	[spmem:s11], [sflag:s6] =	dma.local [hbm:s5], $0x1400  }
0x10: {  	_ =	swait.ge [sflag:s12], $0x1400  }
0x11: {  	[sflag:s12] =	ssyncset.done $0x0  }
0x12: {  	[sflag:s12] =	ssyncadd.s32 $0xFFFFEC00  }
0x13: {  	[tilespmem:s3], [sflag:$0x2] =	stream.linear.gather [hbm4b:s7+s3], $0x2800, $0x38;
	[tilespmem:$0x11000] =	vst v63  }
0x14: {  	_ =	swait.ge [sflag:s12], $0x2800  }
0x15: {  	[sflag:s12] =	ssyncset.done $0x0  }
0x16: {  	[sflag:s12] =	ssyncadd.s32 $0xFFFFD800  }
0x17: {  	[tilespmem:s13], [sflag:$0x2] =	stream.linear.gather [hbm4b:s8+s3], $0x2800, $0x38;
	[tilespmem:$0x11000] =	vst v63  }
0x18: {  	_ =	swait.ge [sflag:s12], $0x2800  }
0x19: {  	[sflag:s12] =	ssyncset.done $0x0  }
0x1a: {  	[sflag:s12] =	ssyncadd.s32 $0xFFFFD800  }
0x1b: {  	s18 =	simm.s32 $0x0;
	[bflag:$0x0] =	sbarrier.arrive $0xFFFF  }
0x1c: {  	[tilespmem:s15], [sflag:$0x1] =	stream.indirect.gather [hbm4b:s4+s14], $0x40, s18, s14, $0xb8;
	[tilespmem:$0x11000] =	vst v63  }
0x1d: {  	_ =	swait.ge [sflag:s16], $0x2000  }
0x1e: {  	[sflag:s16] =	ssyncset.done $0x0  }
0x1f: {  	s31 =	simm.s32 $0x2800;
	[sflag:s16] =	ssyncadd.s32 $0xFFFFE000  }
0x20: {  	[spmem:s2] =	stream.indirect.scatter.add.f32 [tilespmem:s15], [sflag:$0x2], $0x40, s31, s14, $0xb8;
	[tilespmem:$0x11000] =	vst v63  }
0x21: {  	_ =	swait.ge [sflag:s12], $0x2000  }
0x22: {  	s19 =	simm.s32 $0x400;
	s18 =	simm.s32 $0x200;
	[sflag:s12] =	ssyncset.done $0x0  }
.LBB2_2:
0x23: {  	s20 =	sshra.s32 s18, $0x2  }
0x24: {  	[sflag:s12] =	ssyncadd.s32 $0xFFFFE000;
	s18 =	smov.u32 s19;
	s21 =	sadd.s32 $0x200, s19  }
0x25: {  	[tilespmem:s15], [sflag:$0x1] =	stream.indirect.gather [hbm4b:s4+s14], $0x40, s20, s14, $0xb8;
	[tilespmem:$0x11000] =	vst v63  }
0x26: {  	p0 =	sne.s32 s19, $0x9E00;
	_ =	swait.ge [sflag:s16], $0x2000  }
.Ltmp0:
0x27: {  	[sflag:s16] =	ssyncset.done $0x0;
	(pc) =	sbr.rel @p0 .LBB2_2-.Ltmp0, $4  }
0x28: {  	s19 =	sadd.s32 $0x2800, s20;
	[sflag:s16] =	ssyncadd.s32 $0xFFFFE000  }
0x29: {  	[spmem:s2] =	stream.indirect.scatter.add.f32 [tilespmem:s15], [sflag:$0x2], $0x40, s19, s14, $0xb8;
	[tilespmem:$0x11000] =	vst v63  }
0x2a: {  	_ =	swait.ge [sflag:s12], $0x2000  }
0x2b: {  	s19 =	smov.u32 s21;
	[sflag:s12] =	ssyncset.done $0x0  }
0x2c: {  	s18 =	sshra.s32 s18, $0x2;
	[sflag:s12] =	ssyncadd.s32 $0xFFFFE000  }
0x2d: {  	[tilespmem:s15], [sflag:$0x1] =	stream.indirect.gather [hbm4b:s4+s14], $0x40, s18, s14, $0xb8;
	[tilespmem:$0x11000] =	vst v63  }
0x2e: {  	_ =	swait.ge [sflag:s16], $0x2000  }
0x2f: {  	[sflag:s16] =	ssyncset.done $0x0  }
0x30: {  	s18 =	sadd.s32 $0x2800, s18;
	[sflag:s16] =	ssyncadd.s32 $0xFFFFE000  }
0x31: {  	[spmem:s2] =	stream.indirect.scatter.add.f32 [tilespmem:s15], [sflag:$0x2], $0x40, s18, s14, $0xb8;
	[tilespmem:$0x11000] =	vst v63  }
0x32: {  	_ =	swait.ge [sflag:s12], $0x2000  }
0x33: {  	s17 =	sadd.s32 $0x1, s17;
	[sflag:s12] =	ssyncset.done $0x0  }
0x34: {  	p0 =	sne.s32 s17, s10;
	[sflag:s12] =	ssyncadd.s32 $0xFFFFE000  }
.Ltmp1:
0x35: {  	[bflag:$0x0] =	sbarrier.arrive $0xFFFF;
	(pc) =	sbr.rel @p0 .LBB2_1-.Ltmp1, $4  }
0x36: {  	[hbm:s9], [sflag:s6] =	dma.local [spmem:s11], $0x1400  }
0x37: {  	_ =	swait.ge [sflag:s12], $0x1400  }
0x38: {  	[sflag:s12] =	ssyncset.done $0x0  }
0x39: {  	[sflag:s12] =	ssyncadd.s32 $0xFFFFEC00  }
0x3a: {  	_ =	sfence.sel $0x180000  }
0x3b: {  	[bflag:$0x0] =	sbarrier.arrive $0xFFFF  }
0x3c: {  	p0 =	sne.s32 s0, $0x0;
	_ =	strace $0x9000004D  }
0x3d: {  	s0 =	sadd.s32 @!p0 $0x100000, s1;
	[bflag:$0x2] =	sbarrier.arrive $0xFFFF  }
0x3e: {  	[sflag:s0] =	ssyncadd.tile.s32 @!p0 $0x1;
	_ =	shalt  }
.Lfunc_end2:
_tile_overlayer_lowered:
.L_overlay_start_2:
0x3f: {  	(tag) =	ssettag $0x2  }
0x40: {  	s0 =	rddreg [dreg:$0x0];
	s2 =	stileid.u32  }
0x41: {  	s1 =	rddreg [dreg:$0x1];
	p0 =	sne.s32 s2, $0x0  }
0x42: {  	s3 =	rddreg [dreg:$0x2];
	[bflag:$0x3] =	sbarrier.arrive $0xFFFF;
	s2 =	simm.s32 @!p0 $0x1C02  }
0x43: {  	[timem:s3], [sflag:s2] =	dma.local @!p0 [hbm:s0], s1  }
0x44: {  	s0 =	simm.s32 @!p0 $0x2  }
0x45: {  	_ =	swait.ge @!p0 [sflag:s0], s1  }
0x46: {  	s1 =	ssub.s32 @!p0 $0x0, s1;
	[sflag:s0] =	ssyncset.done @!p0 $0x0  }
0x47: {  	[sflag:s0] =	ssyncadd.s32 @!p0 s1  }
0x48: {  	[bflag:$0x3] =	sbarrier.arrive $0xFFFF  }
0x49: {  	_ =	shalt  }

// kernel: kernel.20.cloned.1.call-start
scs
__scs_entry_jumppad:
0x0: {  	(pc) =	sbr.rel $0x88, $3  }
0x1: {  	(tag) =	ssettag $0x0;
	lr =	simm.s32 $0x1  }
0x2: {  	[smem:$0x3F92] =	sst lr;
	_ =	strace $0xD0000000  }
0x3: {  	_ = 	snop  }
0x4: {  	_ = 	snop  }
0x5: {  	_ = 	snop  }
0x6: {  	_ = 	snop  }
0x7: {  	_ = 	snop  }
__scs_overlays_trampoline_lowered:
0x8: {  	[smem:$0x3FA1] =	sst s0  }
0x9: {  	[smem:$0x3FA2] =	sst s1  }
0xa: {  	[smem:$0x3FA3] =	sst s2  }
0xb: {  	[smem:$0x3FA4] =	sst s3  }
0xc: {  	[smem:$0x3FA5] =	sst s4  }
0xd: {  	[smem:$0x3FA6] =	sst s5  }
0xe: {  	[smem:$0x3FA7] =	sst s6  }
0xf: {  	[smem:$0x3FA8] =	sst s7  }
0x10: {  	[smem:$0x3FA9] =	sst s8  }
0x11: {  	[smem:$0x3FAA] =	sst s9;
	s0 =	simm.s32 @!p0 $0x0  }
0x12: {  	s1 =	sld [smem:$0x3F90];
	s0 =	simm.s32 @p0 $0x1  }
0x13: {  	[smem:$0x3FAB] =	sst s0;
	s0 =	simm.s32 @!p1 $0x0  }
0x14: {  	s2 =	sld [smem:$0x3F8F];
	s0 =	simm.s32 @p1 $0x1  }
0x15: {  	[smem:$0x3FAC] =	sst s0;
	s0 =	simm.s32 @!p2 $0x0  }
0x16: {  	s3 =	sld [smem:$0x3FDB];
	s0 =	simm.s32 @p2 $0x1  }
0x17: {  	s4 =	simm.s32 $0x1BF5;
	[smem:$0x3FAE] =	sst s0  }
0x18: {  	s0 =	sld [smem:$0x3F91];
	_ =	swait.ge [sflag:s4], $0x0  }
0x19: {  	s7 =	sld [smem:$0x3F92]  }
0x1a: {  	s8 =	sadd.s32 $0xFFFFE003, lr  }
0x1b: {  	s9 =	sadd.s32 $0xFFFFFEF7, lr;
	s5 =	simm.s32 $0xFFFFFFFF;
	p2 =	slt.u32 s8, $0xFFFFF086  }
0x1c: {  	p1 =	slt.u32 s9, $0xF7A;
	s5 =	simm.s32 @!p2 $0x0  }
0x1d: {  	s5 =	simm.s32 @p1 $0x1;
	p0 =	seq.s32 s7, s2  }
0x1e: {  	s7 =	smul.u32 @!p0 $0xF7A, s2;
	p2 =	seq.s32 @!p0 s5, $0x0  }
0x1f: {  	s9 =	smul.u32 $0xF7A, s1;
	s8 =	simm.s32 @!p0 $0x1BF5;
	p2 =	por !p2, p0  }
0x20: {  	[sflag:s8] =	ssyncset.s32 @!p0 $0xFFFFF086;
	s6 =	sadd.s32 @!p0 s3, s7;
	s7 =	simm.s32 @!p0 $0x108  }
0x21: {  	s3 =	sadd.s32 s3, s9;
	s6 =	sadd.s32 @!p0 $0x88, s6;
	s7 =	simm.s32 @p2 $0x1082  }
0x22: {  	[simem:s7], [sflag:s8] =	dma.local @!p0 [hbm:s6], $0xF7A  }
0x23: {  	s9 =	sor.u32 $0xD0000000, s2;
	s6 =	simm.s32 $0x108;
	_ =	swait.ge @!p0 [sflag:s8], $0x0  }
0x24: {  	s3 =	sadd.s32 $0x88, s3;
	s6 =	simm.s32 @!p1 $0x1082;
	[sflag:s4] =	ssyncset.s32 $0xFFFFF086  }
0x25: {  	[simem:s6], [sflag:s4] =	dma.local [hbm:s3], $0xF7A  }
0x26: {  	[smem:$0x3F92] =	sst s1;
	(tag) =	ssettag s2;
	_ =	strace s9  }
0x27: {  	s1 =	sld [smem:$0x3FA2]  }
0x28: {  	s2 =	sld [smem:$0x3FA3]  }
0x29: {  	s4 =	sld [smem:$0x3FA5]  }
0x2a: {  	p0 =	seq.s32 s5, $0x0;
	s5 =	sld [smem:$0x3FA6]  }
0x2b: {  	s6 =	sld [smem:$0x3FA7]  }
0x2c: {  	s7 =	sld [smem:$0x3FA8]  }
0x2d: {  	s3 =	simm.s32 $0x108;
	s8 =	sld [smem:$0x3FA9]  }
0x2e: {  	s3 =	simm.s32 @!p0 $0x1082;
	s9 =	sld [smem:$0x3FAA]  }
0x2f: {  	lr =	sadd.s32 s0, s3;
	s0 =	sld [smem:$0x3FA1]  }
0x30: {  	s3 =	sld [smem:$0x3FA4]  }
0x31: {  	[smem:$0x3FAD] =	sst s10  }
0x32: {  	s10 =	sld [smem:$0x3FAB];
	_ =	sdelay $0x3  }
0x33: {  	p0 =	seq.s32 s10, $0x1;
	s10 =	sld [smem:$0x3FAD];
	_ =	sdelay $0x3  }
0x34: {  	[smem:$0x3FAD] =	sst s10  }
0x35: {  	s10 =	sld [smem:$0x3FAC];
	_ =	sdelay $0x3  }
0x36: {  	p1 =	seq.s32 s10, $0x1;
	s10 =	sld [smem:$0x3FAD];
	_ =	sdelay $0x3  }
0x37: {  	[smem:$0x3FAD] =	sst s10  }
0x38: {  	s10 =	sld [smem:$0x3FAE]  }
0x39: {  	_ = 	snop;
	(pc) =	sbr.ind lr, $3  }
0x3a: {  	_ = 	snop  }
0x3b: {  	_ = 	snop  }
0x3c: {  	p2 =	seq.s32 s10, $0x1;
	s10 =	sld [smem:$0x3FAD]  }
0x3d: {  	_ =	shalt  }
0x3e: {  	_ =	shalt  }
0x3f: {  	_ =	shalt  }
0x40: {  	_ =	shalt  }
0x41: {  	_ =	shalt  }
0x42: {  	_ =	shalt  }
0x43: {  	_ =	shalt  }
0x44: {  	_ =	shalt  }
0x45: {  	_ =	shalt  }
0x46: {  	_ =	shalt  }
0x47: {  	_ =	shalt  }
0x48: {  	_ =	shalt  }
0x49: {  	_ =	shalt  }
0x4a: {  	_ =	shalt  }
0x4b: {  	_ =	shalt  }
0x4c: {  	_ =	shalt  }
0x4d: {  	_ =	shalt  }
0x4e: {  	_ =	shalt  }
0x4f: {  	_ =	shalt  }
0x50: {  	_ =	shalt  }
0x51: {  	_ =	shalt  }
0x52: {  	_ =	shalt  }
0x53: {  	_ =	shalt  }
0x54: {  	_ =	shalt  }
0x55: {  	_ =	shalt  }
0x56: {  	_ =	shalt  }
0x57: {  	_ =	shalt  }
0x58: {  	_ =	shalt  }
0x59: {  	_ =	shalt  }
0x5a: {  	_ =	shalt  }
0x5b: {  	_ =	shalt  }
0x5c: {  	_ =	shalt  }
0x5d: {  	_ =	shalt  }
0x5e: {  	_ =	shalt  }
0x5f: {  	_ =	shalt  }
0x60: {  	_ =	shalt  }
0x61: {  	_ =	shalt  }
0x62: {  	_ =	shalt  }
0x63: {  	_ =	shalt  }
0x64: {  	_ =	shalt  }
0x65: {  	_ =	shalt  }
0x66: {  	_ =	shalt  }
0x67: {  	_ =	shalt  }
0x68: {  	_ =	shalt  }
0x69: {  	_ =	shalt  }
0x6a: {  	_ =	shalt  }
0x6b: {  	_ =	shalt  }
0x6c: {  	_ =	shalt  }
0x6d: {  	_ =	shalt  }
0x6e: {  	_ =	shalt  }
0x6f: {  	_ =	shalt  }
0x70: {  	_ =	shalt  }
0x71: {  	_ =	shalt  }
0x72: {  	_ =	shalt  }
0x73: {  	_ =	shalt  }
0x74: {  	_ =	shalt  }
0x75: {  	_ =	shalt  }
0x76: {  	_ =	shalt  }
0x77: {  	_ =	shalt  }
0x78: {  	_ =	shalt  }
0x79: {  	_ =	shalt  }
0x7a: {  	_ =	shalt  }
0x7b: {  	_ =	shalt  }
0x7c: {  	_ =	shalt  }
0x7d: {  	_ =	shalt  }
0x7e: {  	_ =	shalt  }
0x7f: {  	_ =	shalt  }
0x80: {  	_ =	shalt  }
0x81: {  	_ =	shalt  }
0x82: {  	_ =	shalt  }
0x83: {  	_ =	shalt  }
0x84: {  	_ =	shalt  }
0x85: {  	_ =	shalt  }
0x86: {  	_ =	shalt  }
0x87: {  	_ =	shalt  }
.Lfunc_end0:
.L_simem_size_0:
called_computation.3_lowered:
.L_overlay_start_0:
0x88: {  	s2 =	sld [smem:$0x3FD9]  }
0x89: {  	s3 =	sld [smem:$0x3FFE];
	_ =	sdelay $0x1  }
0x8a: {  	s1 =	srdreg.scid  }
0x8b: {  	s0 =	sand.u32 $0x1, s1  }
0x8c: {  	s16 =	sshll.u32 s0, $0xA;
	s2 =	sadd.s32 s3, s2  }
0x8d: {  	s2 =	sadd.s32 s2, s16  }
0x8e: {  	[smem:$0x3FB9] =	sst s2  }
0x8f: {  	_ = 	snop  }
0x90: {  	(tm) =	ssettm $0x1  }
0x91: {  	s17 =	sld [smem:$0x3FFB];
	_ =	sdelay $0x3  }
0x92: {  	_ =	strace s17  }
0x93: {  	s2 =	sld [smem:$0x3FFC];
	_ =	sdelay $0x3  }
0x94: {  	_ =	strace s2  }
0x95: {  	s2 =	sld [smem:$0x3FFD];
	_ =	sdelay $0x3  }
0x96: {  	_ =	strace s2  }
0x97: {  	_ =	strace $0x8FFFFFFF  }
0x98: {  	s18 =	sld [smem:$0x3FDB];
	_ =	sdelay $0x1  }
0x99: {  	s19 =	simm.s32 $_scs_section_size  }
0x9a: {  	s4 =	simm.s32 $_size__tile_overlayer_lowered;
	s5 =	simm.s32 $_tile_overlayer_lowered  }
0x9b: {  	s22 =	simm.s32 $0x1BFF;
	s21 =	sshll.u32 s5, $0x1;
	s2 =	sadd.s32 s19, s18  }
0x9c: {  	s6 =	simm.s32 $0x0;
	s20 =	sshll.u32 s4, $0x1;
	s4 =	sadd.s32 s21, s2  }
0x9d: {  	[timem:s6], [sflag:s22] =	dma.local [hbm:s4], s20  }
0x9e: {  	_ =	swait.ge [sflag:s22], s20  }
0x9f: {  	s3 =	ssub.s32 $0x0, s20;
	[sflag:s22] =	ssyncset.done $0x0  }
0xa0: {  	[sflag:s22] =	ssyncadd.s32 s3;
	_ =	sdelay $0x1  }
0xa1: {  	s23 =	simm.s32 $0x1B8B  }
0xa2: {  	_ =	swait.ge [sflag:s23], $0x1  }
0xa3: {  	[sflag:s23] =	ssyncset.done $0x0  }
0xa4: {  	s25 =	simm.s32 $0x1B8E;
	s24 =	sld [smem:$0x3FFE];
	[sflag:s23] =	ssyncadd.s32 $0xFFFFFFFF  }
0xa5: {  	s26 =	simm.s32 $execute0_lowered;
	[smem:$0x3FD2] =	sst s25  }
0xa6: {  	s4 =	sshll.u32 s26, $0x1;
	_ =	strace $0x8000004F;
	[dreg:$0x1] =	wrdreg $0xFFFFFFFF  }
0xa7: {  	s28 =	simm.s32 $_size_execute0_lowered;
	s2 =	sadd.s32 s2, s4;
	[dreg:$0x0] =	wrdreg $0x0  }
0xa8: {  	s4 =	sshll.u32 s28, $0x1;
	[dreg:$0x2] =	wrdreg s2  }
0xa9: {  	[dreg:$0x3] =	wrdreg s4  }
0xaa: {  	[dreg:$0x4] =	wrdreg $0xC0  }
0xab: {  	_ =	task [dreg:s6], $0x5FFFF  }
0xac: {  	[dreg:$0x1] =	wrdreg $0xFFFFFFFF  }
0xad: {  	[dreg:$0x0] =	wrdreg $0x60  }
0xae: {  	[dreg:$0x2] =	wrdreg s24  }
0xaf: {  	[dreg:$0x3] =	wrdreg $0x70000  }
0xb0: {  	[dreg:$0x4] =	wrdreg $0x9  }
0xb1: {  	_ =	task.clear_ibuf [dreg:s6], $0x5FFFF;
	_ =	strace $0x9000004F  }
0xb2: {  	s29 =	simm.s32 $0x9;
	_ =	strace $0x80000051  }
0xb3: {  	_ =	swait.ge [sflag:s29], $0x1  }
0xb4: {  	[sflag:s29] =	ssyncadd.s32 $0xFFFFFFFF  }
0xb5: {  	_ =	strace $0x90000051  }
0xb6: {  	_ =	sfence  }
0xb7: {  	s30 =	sld [smem:$0x0];
	_ =	sdelay $0x2  }
0xb8: {  	s31 =	sshll.u32 s1, $0xD;
	s1 =	sshrl.u32 s1, $0x2  }
0xb9: {  	s3 =	sand.u32 $0x4000, s31;
	s1 =	sadd.s32 s1, s30  }
0xba: {  	s0 =	sor.u32 s3, s0;
	s1 =	sshll.u32 s1, $0x11  }
0xbb: {  	s0 =	sor.u32 s1, s0  }
0xbc: {  	s0 =	sadd.s32 $0x8F2B, s0  }
0xbd: {  	[sflag:s0] =	ssyncadd.remote.s32 $0x1  }
0xbe: {  	_ =	sfence.sel $0xFFFF  }
0xbf: {  	[dreg:$0x0] =	wrdreg $0xFFFFFFFF;
	(pc) =	sbr.abs _section_cstart, $3  }
0xc0: {  	[dreg:$0x1] =	wrdreg $0xFFFFFFFF  }
0xc1: {  	_ =	task.clear_ibuf [dreg:s6], $0x2FFFF;
	_ =	strace $0x9FFFFFFF  }
0xc2: {  	(tm) =	ssettm $0x7FFFFFFF  }
0xc3: {  	_ =	shalt  }
tec
execute0_lowered:
.L_overlay_start_1:
0x0: {  	(tag) =	ssettag $0x1  }
0x1: {  	s1 =	srdreg.scid  }
0x2: {  	s0 =	stileid.u32;
	s6 =	rddreg [dreg:$0x0]  }
0x3: {  	s2 =	rddreg [dreg:$0x1];
	s3 =	simm.s32 $0x0;
	s14 =	simm.s32 $0x80  }
0x4: {  	s15 =	simm.s32 $0x5000;
	s16 =	simm.s32 $0x1;
	s17 =	simm.s32 $0x0  }
0x5: {  	s5 =	sand.u32 $0x1, s1;
	s28 =	sshll.u32 s0, $0x1;
	s8 =	smul.u32 $0xA000, s0  }
0x6: {  	[smem:$0x7FF] =	sst s3;
	s4 =	sadd.s32 $0x15200, s6;
	s31 =	sshll.u32 s0, $0x6  }
0x7: {  	s1 =	sor.u32 s5, s28;
	s9 =	smul.u32 $0xA0000, s5;
	s5 =	ssub.s32 $0x2, s5  }
0x8: {  	s7 =	smul.u32 $0x500, s1;
	s1 =	rddreg [dreg:$0x2];
	_ =	strace $0x80000050  }
0x9: {  	s30 =	sshrl.u32 s8, $0x3;
	s11 =	sshrl.u32 s5, $0x1;
	s13 =	sadd.s32 s8, s2  }
0xa: {  	s29 =	sadd.s32 s8, s9;
	s9 =	sadd.s32 s30, s6;
	s11 =	ssub.s32 s5, s11  }
0xb: {  	s10 =	sadd.s32 s7, s6;
	s7 =	sshrl.u32 s29, $0x3;
	s5 =	sadd.s32 $0x29200, s9  }
0xc: {  	s12 =	sadd.s32 s7, s6;
	s6 =	sor.u32 $0x1C02, s31;
	s7 =	sadd.s32 $0xB200, s10  }
0xd: {  	s8 =	sadd.s32 $0x200, s10;
	s10 =	smax.u32 s11, $0x1;
	s11 =	sshrl.u32 s13, $0x3  }
0xe: {  	s13 =	simm.s32 $0x2800;
	s9 =	sadd.s32 $0x3D200, s12;
	s12 =	simm.s32 $0x2  }
.LBB2_1:
0xf: {  	[spmem:s11], [sflag:s6] =	dma.local [hbm:s5], $0x1400  }
0x10: {  	_ =	swait.ge [sflag:s12], $0x1400  }
0x11: {  	[sflag:s12] =	ssyncset.done $0x0  }
0x12: {  	[sflag:s12] =	ssyncadd.s32 $0xFFFFEC00  }
0x13: {  	[tilespmem:s3], [sflag:$0x2] =	stream.linear.gather [hbm4b:s7+s3], $0x2800, $0x38;
	[tilespmem:$0x11000] =	vst v63  }
0x14: {  	_ =	swait.ge [sflag:s12], $0x2800  }
0x15: {  	[sflag:s12] =	ssyncset.done $0x0  }
0x16: {  	[sflag:s12] =	ssyncadd.s32 $0xFFFFD800  }
0x17: {  	[tilespmem:s13], [sflag:$0x2] =	stream.linear.gather [hbm4b:s8+s3], $0x2800, $0x38;
	[tilespmem:$0x11000] =	vst v63  }
0x18: {  	_ =	swait.ge [sflag:s12], $0x2800  }
0x19: {  	[sflag:s12] =	ssyncset.done $0x0  }
0x1a: {  	[sflag:s12] =	ssyncadd.s32 $0xFFFFD800  }
0x1b: {  	s18 =	simm.s32 $0x0;
	[bflag:$0x0] =	sbarrier.arrive $0xFFFF  }
0x1c: {  	[tilespmem:s15], [sflag:$0x1] =	stream.indirect.gather [hbm4b:s4+s14], $0x40, s18, s14, $0xb8;
	[tilespmem:$0x11000] =	vst v63  }
0x1d: {  	_ =	swait.ge [sflag:s16], $0x2000  }
0x1e: {  	[sflag:s16] =	ssyncset.done $0x0  }
0x1f: {  	s31 =	simm.s32 $0x2800;
	[sflag:s16] =	ssyncadd.s32 $0xFFFFE000  }
0x20: {  	[spmem:s2] =	stream.indirect.scatter.add.f32 [tilespmem:s15], [sflag:$0x2], $0x40, s31, s14, $0xb8;
	[tilespmem:$0x11000] =	vst v63  }
0x21: {  	_ =	swait.ge [sflag:s12], $0x2000  }
0x22: {  	s19 =	simm.s32 $0x400;
	s18 =	simm.s32 $0x200;
	[sflag:s12] =	ssyncset.done $0x0  }
.LBB2_2:
0x23: {  	s20 =	sshra.s32 s18, $0x2  }
0x24: {  	[sflag:s12] =	ssyncadd.s32 $0xFFFFE000;
	s18 =	smov.u32 s19;
	s21 =	sadd.s32 $0x200, s19  }
0x25: {  	[tilespmem:s15], [sflag:$0x1] =	stream.indirect.gather [hbm4b:s4+s14], $0x40, s20, s14, $0xb8;
	[tilespmem:$0x11000] =	vst v63  }
0x26: {  	p0 =	sne.s32 s19, $0x9E00;
	_ =	swait.ge [sflag:s16], $0x2000  }
.Ltmp0:
0x27: {  	[sflag:s16] =	ssyncset.done $0x0;
	(pc) =	sbr.rel @p0 .LBB2_2-.Ltmp0, $4  }
0x28: {  	s19 =	sadd.s32 $0x2800, s20;
	[sflag:s16] =	ssyncadd.s32 $0xFFFFE000  }
0x29: {  	[spmem:s2] =	stream.indirect.scatter.add.f32 [tilespmem:s15], [sflag:$0x2], $0x40, s19, s14, $0xb8;
	[tilespmem:$0x11000] =	vst v63  }
0x2a: {  	_ =	swait.ge [sflag:s12], $0x2000  }
0x2b: {  	s19 =	smov.u32 s21;
	[sflag:s12] =	ssyncset.done $0x0  }
0x2c: {  	s18 =	sshra.s32 s18, $0x2;
	[sflag:s12] =	ssyncadd.s32 $0xFFFFE000  }
0x2d: {  	[tilespmem:s15], [sflag:$0x1] =	stream.indirect.gather [hbm4b:s4+s14], $0x40, s18, s14, $0xb8;
	[tilespmem:$0x11000] =	vst v63  }
0x2e: {  	_ =	swait.ge [sflag:s16], $0x2000  }
0x2f: {  	[sflag:s16] =	ssyncset.done $0x0  }
0x30: {  	s18 =	sadd.s32 $0x2800, s18;
	[sflag:s16] =	ssyncadd.s32 $0xFFFFE000  }
0x31: {  	[spmem:s2] =	stream.indirect.scatter.add.f32 [tilespmem:s15], [sflag:$0x2], $0x40, s18, s14, $0xb8;
	[tilespmem:$0x11000] =	vst v63  }
0x32: {  	_ =	swait.ge [sflag:s12], $0x2000  }
0x33: {  	s17 =	sadd.s32 $0x1, s17;
	[sflag:s12] =	ssyncset.done $0x0  }
0x34: {  	p0 =	sne.s32 s17, s10;
	[sflag:s12] =	ssyncadd.s32 $0xFFFFE000  }
.Ltmp1:
0x35: {  	[bflag:$0x0] =	sbarrier.arrive $0xFFFF;
	(pc) =	sbr.rel @p0 .LBB2_1-.Ltmp1, $4  }
0x36: {  	[hbm:s9], [sflag:s6] =	dma.local [spmem:s11], $0x1400  }
0x37: {  	_ =	swait.ge [sflag:s12], $0x1400  }
0x38: {  	[sflag:s12] =	ssyncset.done $0x0  }
0x39: {  	[sflag:s12] =	ssyncadd.s32 $0xFFFFEC00  }
0x3a: {  	_ =	sfence.sel $0x180000  }
0x3b: {  	[bflag:$0x0] =	sbarrier.arrive $0xFFFF  }
0x3c: {  	p0 =	sne.s32 s0, $0x0;
	_ =	strace $0x90000050  }
0x3d: {  	s0 =	sadd.s32 @!p0 $0x100000, s1;
	[bflag:$0x2] =	sbarrier.arrive $0xFFFF  }
0x3e: {  	[sflag:s0] =	ssyncadd.tile.s32 @!p0 $0x1;
	_ =	shalt  }
.Lfunc_end2:
_tile_overlayer_lowered:
.L_overlay_start_2:
0x3f: {  	(tag) =	ssettag $0x2  }
0x40: {  	s0 =	rddreg [dreg:$0x0];
	s2 =	stileid.u32  }
0x41: {  	s1 =	rddreg [dreg:$0x1];
	p0 =	sne.s32 s2, $0x0  }
0x42: {  	s3 =	rddreg [dreg:$0x2];
	[bflag:$0x3] =	sbarrier.arrive $0xFFFF;
	s2 =	simm.s32 @!p0 $0x1C02  }
0x43: {  	[timem:s3], [sflag:s2] =	dma.local @!p0 [hbm:s0], s1  }
0x44: {  	s0 =	simm.s32 @!p0 $0x2  }
0x45: {  	_ =	swait.ge @!p0 [sflag:s0], s1  }
0x46: {  	s1 =	ssub.s32 @!p0 $0x0, s1;
	[sflag:s0] =	ssyncset.done @!p0 $0x0  }
0x47: {  	[sflag:s0] =	ssyncadd.s32 @!p0 s1  }
0x48: {  	[bflag:$0x3] =	sbarrier.arrive $0xFFFF  }
0x49: {  	_ =	shalt  }

</sc_bundles>
